<compile_context>
chip_gen: v7x
topology: tpu7x:2x2x1
jax: 0.10.2.dev20260603
libtpu: 0.0.44.dev20260713+nightly
codegen_flags: <defaults>
</compile_context>

<pallas_src>
import jax
import jax.numpy as jnp
from jax import lax
from jax.experimental import pallas as pl
from jax.experimental.pallas import tpu as pltpu
from jax.experimental.pallas import tpu_sc as plsc

NUM_CLASS = 1000
MEM_SIZE = 50
SLOT_PAD = 56
D = 512
NQ = 64
NV = 4096

ROWS_PAD = NUM_CLASS * SLOT_PAD + 64
DUMMY_ROW = NUM_CLASS * SLOT_PAD

NC, NS = 2, 16
NW = NC * NS
VPW = NV // NW

CB = 40
IRB = CB * MEM_SIZE
ORB = CB * SLOT_PAD

_PREC = jax.lax.Precision.DEFAULT


def _stage_body(x_ref, o_ref):
    x = x_ref[...]
    n = jnp.sqrt(jnp.sum(x * x, axis=1, keepdims=True))
    xn = x * (1.0 / (n + 1e-8))
    for i in range(CB):
        o_ref[SLOT_PAD * i:SLOT_PAD * i + MEM_SIZE, :] = (
            xn[MEM_SIZE * i:MEM_SIZE * (i + 1), :])
        o_ref[SLOT_PAD * i + MEM_SIZE:SLOT_PAD * (i + 1), :] = (
            jnp.zeros((SLOT_PAD - MEM_SIZE, D), jnp.float32))


def _stage(mem):
    return pl.pallas_call(
        _stage_body,
        grid=(NUM_CLASS // CB,),
        in_specs=[pl.BlockSpec((IRB, D), lambda i: (i, 0))],
        out_specs=pl.BlockSpec((ORB, D), lambda i: (i, 0)),
        out_shape=jax.ShapeDtypeStruct((ROWS_PAD, D), jnp.float32),
    )(mem)


def _winner_body(icol_ref, irow_ref, o_ref):
    i = pl.program_id(0)
    a = icol_ref[...]
    b = irow_ref[...]
    jc = 512 * i + lax.broadcasted_iota(jnp.int32, (512, 1), 0)
    jr = lax.broadcasted_iota(jnp.int32, (1, NV), 1)
    dead = jnp.any((a == b) & (jr > jc), axis=1, keepdims=True)
    c = a // MEM_SIZE
    padded = SLOT_PAD * c + (a - MEM_SIZE * c)
    o_ref[...] = jnp.where(dead, DUMMY_ROW, padded)


def _winner(idx):
    icol = idx.reshape(NV, 1)
    irow = idx.reshape(1, NV)
    out = pl.pallas_call(
        _winner_body,
        grid=(NV // 512,),
        in_specs=[
            pl.BlockSpec((512, 1), lambda i: (i, 0)),
            pl.BlockSpec((1, NV), lambda i: (0, 0)),
        ],
        out_specs=pl.BlockSpec((512, 1), lambda i: (i, 0)),
        out_shape=jax.ShapeDtypeStruct((NV, 1), jnp.int32),
    )(icol, irow)
    return out.reshape(NW, VPW)


def _norm_body(x_ref, o_ref):
    x = x_ref[...]
    n = jnp.sqrt(jnp.sum(x * x, axis=1, keepdims=True))
    o_ref[...] = x * (1.0 / (n + 1e-8))


def _valn(val):
    return pl.pallas_call(
        _norm_body,
        grid=(NV // 2048,),
        in_specs=[pl.BlockSpec((2048, D), lambda i: (i, 0))],
        out_specs=pl.BlockSpec((2048, D), lambda i: (i, 0)),
        out_shape=jax.ShapeDtypeStruct((NV, D), jnp.float32),
    )(val)


def _qn(queries):
    return pl.pallas_call(
        _norm_body,
        out_shape=jax.ShapeDtypeStruct((NQ, D), jnp.float32),
    )(queries)


def _scatter_body(mem_ref, valn_ref, idx_ref, idx_v, rows_v, sem):
    wid = lax.axis_index("s") * NC + lax.axis_index("c")
    pltpu.sync_copy(idx_ref.at[wid], idx_v)
    pltpu.sync_copy(valn_ref.at[pl.ds(wid * VPW, VPW)], rows_v)
    pltpu.async_copy(rows_v, mem_ref.at[idx_v], sem).wait()


def _scatter(mem_ref, valn, idx2):
    k = pl.kernel(
        _scatter_body,
        out_type=(),
        mesh=plsc.VectorSubcoreMesh(core_axis_name="c", subcore_axis_name="s"),
        scratch_types=[
            pltpu.VMEM((VPW,), jnp.int32),
            pltpu.VMEM((VPW, D), jnp.float32),
            pltpu.SemaphoreType.DMA,
        ],
    )
    k(mem_ref, valn, idx2)


def _readout_body(x_ref, q_ref, o_ref):
    qn = q_ref[...]
    x = x_ref[...]
    st = lax.dot_general(x, qn, (((1,), (1,)), ((), ())),
                         precision=_PREC)
    s3 = st.reshape(CB, SLOT_PAD, NQ)
    live = lax.broadcasted_iota(jnp.int32, (1, SLOT_PAD, 1), 1) < MEM_SIZE
    sims = jnp.where(live, 100.0 * s3, -3.0e38)
    mx = jnp.max(sims, axis=1, keepdims=True)
    e = jnp.exp(sims - mx)
    w3 = e * (1.0 / jnp.sum(e, axis=1, keepdims=True))
    num = jnp.sum(w3 * s3, axis=1)
    xn3 = x.reshape(CB, SLOT_PAD, D)
    rows = []
    for i in range(CB):
        p = lax.dot_general(w3[i], xn3[i], (((0,), (0,)), ((), ())),
                            precision=_PREC)
        pn = jnp.sqrt(jnp.sum(p * p, axis=1))
        rows.append((100.0 * num[i] / (pn + 1e-8))[None, :])
    o_ref[...] = jnp.concatenate(rows, axis=0)


def _readout(memn, qn):
    return pl.pallas_call(
        _readout_body,
        grid=(NUM_CLASS // CB,),
        in_specs=[
            pl.BlockSpec((ORB, D), lambda i: (i, 0)),
            pl.BlockSpec((NQ, D), lambda i: (0, 0)),
        ],
        out_specs=pl.BlockSpec((CB, NQ), lambda i: (i, 0)),
        out_shape=jax.ShapeDtypeStruct((NUM_CLASS, NQ), jnp.float32),
    )(memn, qn)


def _transpose_body(x_ref, o_ref):
    o_ref[...] = x_ref[...].T


def _transpose(lt):
    return pl.pallas_call(
        _transpose_body,
        out_shape=jax.ShapeDtypeStruct((NQ, NUM_CLASS), jnp.float32),
    )(lt)


def kernel(mem, val, queries, idx):
    memn = _stage(mem)
    idx2 = _winner(idx)
    valn = _valn(val)
    qn = _qn(queries)
    mem_ref = jax.new_ref(memn)
    _scatter(mem_ref, valn, idx2)
    return _transpose(_readout(mem_ref[...], qn))

# --- scband reference (transcript-rebuilt; emitter-appended) ---
"""Pipeline reference for scband-cliptta-44796508897383 (READ-ONLY COPY).

The authoritative reference and input builder live on the scoring server;
editing this copy changes nothing except your own understanding.
"""

import jax, jax.numpy as jnp
import numpy as np

NUM_CLASS = 1000
MEM_SIZE = 50
D = 512


def setup_inputs(seed: int = 0) -> dict:
    key = jax.random.key(seed)
    k1, k2, k3, k4 = jax.random.split(key, 4)
    mem = jax.random.normal(k1, (NUM_CLASS * MEM_SIZE, D), dtype=jnp.float32)
    val = jax.random.normal(k2, (4096, D), dtype=jnp.float32)
    queries = jax.random.normal(k3, (64, D), dtype=jnp.float32)
    idx = jax.random.randint(k4, (4096,), 0, NUM_CLASS * MEM_SIZE, dtype=jnp.int32)
    return {"mem": mem, "val": val, "queries": queries, "idx": idx}


def reference(mem, val, queries, idx):
    # --- memory-bank write (CLIPTTA.update_memory_bank): scatter-overwrite
    # normalized features into per-class slots addressed by pseudo_label/slot idx
    val_n = val / (jnp.linalg.norm(val, axis=-1, keepdims=True) + 1e-8)
    mem2 = mem.at[idx].set(val_n)
    # --- memory read (CLIPTTA.get_image_pred, 'similarity_weighted' classifier)
    mem3 = mem2.reshape(NUM_CLASS, MEM_SIZE, D)
    mem3 = mem3 / (jnp.linalg.norm(mem3, axis=-1, keepdims=True) + 1e-8)
    q = queries / (jnp.linalg.norm(queries, axis=-1, keepdims=True) + 1e-8)
    # similarity of each query image feature to every memorized feature
    sims = jnp.einsum('qd,cmd->qcm', q, mem3) * 100.0
    w = jax.nn.softmax(sims, axis=-1)
    # similarity-weighted per-class prototype (filled_image_feat)
    protos = jnp.einsum('qcm,cmd->qcd', w, mem3)
    protos = protos / (jnp.linalg.norm(protos, axis=-1, keepdims=True) + 1e-8)
    logit_scale = 100.0
    logits = logit_scale * jnp.einsum('qd,qcd->qc', q, protos)
    return logits

if __name__ == "__main__":
    import jax
    _d = setup_inputs()
    print(jax.jit(kernel)(*tuple(_d.values())))

</pallas_src>

<mosaic_0001>
#map = affine_map<(d0, d1) -> (0, 0)>
module attributes {stable_mosaic.version = 14 : i64} {
  func.func @new_body(%arg0: i32, %arg1: i32, %arg2: memref<56064x512xf32, #tpu.memory_space<hbm>>, %arg3: memref<4096x512xf32, #tpu.memory_space<hbm>>, %arg4: memref<32x128xi32, #tpu.memory_space<hbm>>, %arg5: memref<56064x512xf32, #tpu.memory_space<hbm>>, %arg6: memref<128xi32, #tpu.memory_space<vmem>>, %arg7: memref<128x512xf32, #tpu.memory_space<vmem>>, %arg8: memref<!tpu.dma_semaphore, #tpu.memory_space<semaphore_mem>>) attributes {dimension_semantics = [#tpu.dimension_semantics<core_parallel>, #tpu.dimension_semantics<subcore_parallel>], iteration_bounds = array<i64: 2, 16>, scalar_prefetch = 0 : i64, scratch_operands = 3 : i64, tpu.core_type = #tpu.core_type<sc_vector_subcore>, window_params = [{transform_indices = #map}, {transform_indices = #map}, {transform_indices = #map}, {transform_indices = #map}]} {
    %mul3A = arith.constant 2 : i32
    %mul3A_0 = arith.muli %arg1, %mul3A : i32
    %add3A = arith.addi %mul3A_0, %arg0 : i32
    "tpu.region"() ({
      %run_scoped3A = tpu.sem_alloc : memref<!tpu.dma_semaphore, #tpu.memory_space<semaphore_mem>>
      %dma_start3A_7 = arith.constant 0 : i32
      %dma_start3A_8 = tpu.memref_slice %arg4[%add3A, %dma_start3A_7] : memref<32x128xi32, #tpu.memory_space<hbm>> -> memref<1x128xi32, #tpu.memory_space<hbm>>
      %dma_start3A_9 = tpu.memref_squeeze %dma_start3A_8 : memref<1x128xi32, #tpu.memory_space<hbm>> -> memref<128xi32, #tpu.memory_space<hbm>>
      %dma_start3A_10 = arith.constant 0 : i32
      %dma_start3A_11 = tpu.memref_slice %arg4[%add3A, %dma_start3A_10] : memref<32x128xi32, #tpu.memory_space<hbm>> -> memref<1x128xi32, #tpu.memory_space<hbm>>
      %dma_start3A_12 = tpu.memref_squeeze %dma_start3A_11 : memref<1x128xi32, #tpu.memory_space<hbm>> -> memref<128xi32, #tpu.memory_space<hbm>>
      tpu.enqueue_dma source(%dma_start3A_12 : memref<128xi32, #tpu.memory_space<hbm>>) target(%arg6 : memref<128xi32, #tpu.memory_space<vmem>>) target_semaphore(%run_scoped3A : memref<!tpu.dma_semaphore, #tpu.memory_space<semaphore_mem>>)
      %dma_wait3A_13 = arith.constant 0 : i32
      %dma_wait3A_14 = tpu.memref_slice %arg4[%add3A, %dma_wait3A_13] : memref<32x128xi32, #tpu.memory_space<hbm>> -> memref<1x128xi32, #tpu.memory_space<hbm>>
      %dma_wait3A_15 = tpu.memref_squeeze %dma_wait3A_14 : memref<1x128xi32, #tpu.memory_space<hbm>> -> memref<128xi32, #tpu.memory_space<hbm>>
      %dma_wait3A_16 = arith.constant 0 : i32
      %dma_wait3A_17 = tpu.memref_slice %arg4[%add3A, %dma_wait3A_16] : memref<32x128xi32, #tpu.memory_space<hbm>> -> memref<1x128xi32, #tpu.memory_space<hbm>>
      %dma_wait3A_18 = tpu.memref_squeeze %dma_wait3A_17 : memref<1x128xi32, #tpu.memory_space<hbm>> -> memref<128xi32, #tpu.memory_space<hbm>>
      tpu.wait_dma2 semaphore(%run_scoped3A : memref<!tpu.dma_semaphore, #tpu.memory_space<semaphore_mem>>) src(%dma_wait3A_18 : memref<128xi32, #tpu.memory_space<hbm>>) dst(%arg6 : memref<128xi32, #tpu.memory_space<vmem>>)
      tpu.yield
    }) : () -> ()
    %mul3A_1 = arith.constant 128 : i32
    %mul3A_2 = arith.muli %add3A, %mul3A_1 : i32
    "tpu.region"() ({
      %run_scoped3A = tpu.sem_alloc : memref<!tpu.dma_semaphore, #tpu.memory_space<semaphore_mem>>
      %dma_start3A_7 = arith.constant 0 : i32
      %dma_start3A_8 = tpu.memref_slice %arg3[%mul3A_2, %dma_start3A_7] : memref<4096x512xf32, #tpu.memory_space<hbm>> -> memref<128x512xf32, #tpu.memory_space<hbm>>
      %dma_start3A_9 = arith.constant 0 : i32
      %dma_start3A_10 = tpu.memref_slice %arg3[%mul3A_2, %dma_start3A_9] : memref<4096x512xf32, #tpu.memory_space<hbm>> -> memref<128x512xf32, #tpu.memory_space<hbm>>
      tpu.enqueue_dma source(%dma_start3A_10 : memref<128x512xf32, #tpu.memory_space<hbm>>) target(%arg7 : memref<128x512xf32, #tpu.memory_space<vmem>>) target_semaphore(%run_scoped3A : memref<!tpu.dma_semaphore, #tpu.memory_space<semaphore_mem>>)
      %dma_wait3A_11 = arith.constant 0 : i32
      %dma_wait3A_12 = tpu.memref_slice %arg3[%mul3A_2, %dma_wait3A_11] : memref<4096x512xf32, #tpu.memory_space<hbm>> -> memref<128x512xf32, #tpu.memory_space<hbm>>
      %dma_wait3A_13 = arith.constant 0 : i32
      %dma_wait3A_14 = tpu.memref_slice %arg3[%mul3A_2, %dma_wait3A_13] : memref<4096x512xf32, #tpu.memory_space<hbm>> -> memref<128x512xf32, #tpu.memory_space<hbm>>
      tpu.wait_dma2 semaphore(%run_scoped3A : memref<!tpu.dma_semaphore, #tpu.memory_space<semaphore_mem>>) src(%dma_wait3A_14 : memref<128x512xf32, #tpu.memory_space<hbm>>) dst(%arg7 : memref<128x512xf32, #tpu.memory_space<vmem>>)
      tpu.yield
    }) : () -> ()
    %dma_start3A = arith.constant 0 : i32
    %dma_start3A_3 = arith.constant 0 : i32
    %dma_start3A_4 = tpu.memref_slice %arg2[%dma_start3A, %dma_start3A_3] : memref<56064x512xf32, #tpu.memory_space<hbm>> -> memref<56064x512xf32, #tpu.memory_space<hbm>>
    tpu.enqueue_indirect_dma source(%arg7 : memref<128x512xf32, #tpu.memory_space<vmem>>) target(%dma_start3A_4 : memref<56064x512xf32, #tpu.memory_space<hbm>>) offsets(%arg6 : memref<128xi32, #tpu.memory_space<vmem>>) semaphore(%arg8 : memref<!tpu.dma_semaphore, #tpu.memory_space<semaphore_mem>>)
    %dma_wait3A = arith.constant 0 : i32
    %dma_wait3A_5 = arith.constant 0 : i32
    %dma_wait3A_6 = tpu.memref_slice %arg2[%dma_wait3A, %dma_wait3A_5] : memref<56064x512xf32, #tpu.memory_space<hbm>> -> memref<56064x512xf32, #tpu.memory_space<hbm>>
    tpu.wait_indirect_dma semaphore(%arg8 : memref<!tpu.dma_semaphore, #tpu.memory_space<semaphore_mem>>) src(%arg7 : memref<128x512xf32, #tpu.memory_space<vmem>>) dst(%dma_wait3A_6 : memref<56064x512xf32, #tpu.memory_space<hbm>>)
    return
  }
}

module attributes {stable_mosaic.version = 14 : i64} {
  func.func @_norm_body(%arg0: i32, %arg1: memref<2048x512xf32, #tpu.memory_space<vmem>>, %arg2: memref<2048x512xf32, #tpu.memory_space<vmem>>) attributes {dimension_semantics = [#tpu.dimension_semantics<arbitrary>], iteration_bounds = array<i64: 2>, scalar_prefetch = 0 : i64, scratch_operands = 0 : i64, tpu.core_type = #tpu.core_type<tc>, window_params = [{transform_indices = @transform_0, window_bounds = array<i64: 2048, 512>}, {transform_indices = @transform_1, window_bounds = array<i64: 2048, 512>}]} {
    %get3A = arith.constant 0 : index
    %get3A_0 = arith.constant 0 : index
    %get3A_1 = vector.load %arg1[%get3A, %get3A_0] : memref<2048x512xf32, #tpu.memory_space<vmem>>, vector<2048x512xf32>
    %mul3A = arith.mulf %get3A_1, %get3A_1 : vector<2048x512xf32>
    %reduce_sum3A = arith.constant dense<0.000000e+00> : vector<2048xf32>
    %reduce_sum3A_2 = vector.multi_reduction <add>, %mul3A, %reduce_sum3A [1] : vector<2048x512xf32> to vector<2048xf32>
    %broadcast_in_dim3A = vector.shape_cast %reduce_sum3A_2 : vector<2048xf32> to vector<2048x1xf32>
    %sqrt3A = math.sqrt %broadcast_in_dim3A : vector<2048x1xf32>
    %add3A = arith.constant 9.99999993E-9 : f32
    %add3A_3 = vector.broadcast %add3A : f32 to vector<2048x1xf32>
    %add3A_4 = arith.addf %sqrt3A, %add3A_3 : vector<2048x1xf32>
    %div3A = arith.constant 1.000000e+00 : f32
    %div3A_5 = vector.broadcast %div3A : f32 to vector<2048x1xf32>
    %div3A_6 = arith.divf %div3A_5, %add3A_4 : vector<2048x1xf32>
    %mul3A_7 = vector.broadcast %div3A_6 : vector<2048x1xf32> to vector<2048x512xf32>
    %mul3A_8 = arith.mulf %get3A_1, %mul3A_7 : vector<2048x512xf32>
    %swap3A = arith.constant 0 : index
    %swap3A_9 = arith.constant 0 : index
    %swap3A_10 = vector.load %arg2[%swap3A, %swap3A_9] : memref<2048x512xf32, #tpu.memory_space<vmem>>, vector<2048x512xf32>
    tpu.vector_store %arg2[%swap3A, %swap3A_9], %mul3A_8 {strides = array<i32>} : memref<2048x512xf32, #tpu.memory_space<vmem>>, vector<2048x512xf32>,
    return
  }
  func.func @transform_0(%arg0: i32) -> (i32, i32) {
    %c0_i32 = arith.constant 0 : i32
    %c0_i32_0 = arith.constant 0 : i32
    return %arg0, %c0_i32 : i32, i32
  }
  func.func @transform_1(%arg0: i32) -> (i32, i32) {
    %c0_i32 = arith.constant 0 : i32
    %c0_i32_0 = arith.constant 0 : i32
    return %arg0, %c0_i32 : i32, i32
  }
}

module attributes {stable_mosaic.version = 14 : i64} {
  func.func @_winner_body(%arg0: i32, %arg1: memref<512x1xi32, #tpu.memory_space<vmem>>, %arg2: memref<1x4096xi32, #tpu.memory_space<vmem>>, %arg3: memref<512x1xi32, #tpu.memory_space<vmem>>) attributes {dimension_semantics = [#tpu.dimension_semantics<arbitrary>], iteration_bounds = array<i64: 8>, scalar_prefetch = 0 : i64, scratch_operands = 0 : i64, tpu.core_type = #tpu.core_type<tc>, window_params = [{transform_indices = @transform_0, window_bounds = array<i64: 512, 1>}, {pipeline_mode = #tpu.pipeline_mode<synchronous>, transform_indices = @transform_1, window_bounds = array<i64: 1, 4096>}, {transform_indices = @transform_2, window_bounds = array<i64: 512, 1>}]} {
    %get3A = arith.constant 0 : index
    %get3A_0 = arith.constant 0 : index
    %get3A_1 = vector.load %arg1[%get3A, %get3A_0] : memref<512x1xi32, #tpu.memory_space<vmem>>, vector<512x1xi32>
    %get3A_2 = arith.constant 0 : index
    %get3A_3 = arith.constant 0 : index
    %get3A_4 = vector.load %arg2[%get3A_2, %get3A_3] : memref<1x4096xi32, #tpu.memory_space<vmem>>, vector<1x4096xi32>
    %mul3A = arith.constant 512 : i32
    %mul3A_5 = arith.muli %mul3A, %arg0 : i32
    %iota3A = tpu.iota {dimensions = array<i32: 0>} : vector<512x1xi32>
    %add3A = vector.broadcast %mul3A_5 : i32 to vector<512x1xi32>
    %add3A_6 = arith.addi %add3A, %iota3A : vector<512x1xi32>
    %iota3A_7 = tpu.iota {dimensions = array<i32: 1>} : vector<1x4096xi32>
    %eq3A = vector.broadcast %get3A_1 : vector<512x1xi32> to vector<512x4096xi32>
    %eq3A_8 = vector.broadcast %get3A_4 : vector<1x4096xi32> to vector<512x4096xi32>
    %eq3A_9 = arith.cmpi eq, %eq3A, %eq3A_8 : vector<512x4096xi32>
    %gt3A = vector.broadcast %iota3A_7 : vector<1x4096xi32> to vector<512x4096xi32>
    %gt3A_10 = vector.broadcast %add3A_6 : vector<512x1xi32> to vector<512x4096xi32>
    %gt3A_11 = arith.cmpi sgt, %gt3A, %gt3A_10 : vector<512x4096xi32>
    %and3A = arith.andi %eq3A_9, %gt3A_11 : vector<512x4096xi1>
    %reduce_or3A = arith.constant 1.000000e+00 : f32
    %reduce_or3A_12 = arith.constant 0.000000e+00 : f32
    %reduce_or3A_13 = vector.broadcast %reduce_or3A : f32 to vector<512x4096xf32>
    %reduce_or3A_14 = vector.broadcast %reduce_or3A_12 : f32 to vector<512x4096xf32>
    %reduce_or3A_15 = arith.select %and3A, %reduce_or3A_13, %reduce_or3A_14 : vector<512x4096xi1>, vector<512x4096xf32>
    %reduce_or3A_16 = arith.constant dense<0xFF800000> : vector<512xf32>
    %reduce_or3A_17 = vector.multi_reduction <maximumf>, %reduce_or3A_15, %reduce_or3A_16 [1] : vector<512x4096xf32> to vector<512xf32>
    %reduce_or3A_18 = arith.constant 0.000000e+00 : f32
    %reduce_or3A_19 = vector.broadcast %reduce_or3A_18 : f32 to vector<512xf32>
    %reduce_or3A_20 = arith.cmpf ogt, %reduce_or3A_17, %reduce_or3A_19 : vector<512xf32>
    %broadcast_in_dim3A = vector.shape_cast %reduce_or3A_20 : vector<512xi1> to vector<512x1xi1>
    %jit3A = arith.constant 50 : i32
    %div3A = vector.broadcast %jit3A : i32 to vector<512x1xi32>
    %div3A_21 = arith.divsi %get3A_1, %div3A : vector<512x1xi32>
    %sign3A = arith.constant 0 : i32
    %sign3A_22 = vector.broadcast %sign3A : i32 to vector<512x1xi32>
    %sign3A_23 = arith.cmpi sgt, %get3A_1, %sign3A_22 : vector<512x1xi32>
    %sign3A_24 = arith.extui %sign3A_23 : vector<512x1xi1> to vector<512x1xi32>
    %sign3A_25 = arith.constant 0 : i32
    %sign3A_26 = vector.broadcast %sign3A_25 : i32 to vector<512x1xi32>
    %sign3A_27 = arith.cmpi slt, %get3A_1, %sign3A_26 : vector<512x1xi32>
    %sign3A_28 = arith.extui %sign3A_27 : vector<512x1xi1> to vector<512x1xi32>
    %sign3A_29 = arith.subi %sign3A_24, %sign3A_28 : vector<512x1xi32>
    %sign3A_30 = arith.constant 0 : i32
    %sign3A_31 = arith.cmpi sgt, %jit3A, %sign3A_30 : i32
    %sign3A_32 = arith.extui %sign3A_31 : i1 to i32
    %sign3A_33 = arith.constant 0 : i32
    %sign3A_34 = arith.cmpi slt, %jit3A, %sign3A_33 : i32
    %sign3A_35 = arith.extui %sign3A_34 : i1 to i32
    %sign3A_36 = arith.subi %sign3A_32, %sign3A_35 : i32
    %ne3A = vector.broadcast %sign3A_36 : i32 to vector<512x1xi32>
    %ne3A_37 = arith.cmpi ne, %sign3A_29, %ne3A : vector<512x1xi32>
    %rem3A = vector.broadcast %jit3A : i32 to vector<512x1xi32>
    %rem3A_38 = arith.remsi %get3A_1, %rem3A : vector<512x1xi32>
    %ne3A_39 = arith.constant 0 : i32
    %ne3A_40 = vector.broadcast %ne3A_39 : i32 to vector<512x1xi32>
    %ne3A_41 = arith.cmpi ne, %rem3A_38, %ne3A_40 : vector<512x1xi32>
    %and3A_42 = arith.andi %ne3A_37, %ne3A_41 : vector<512x1xi1>
    %sub3A = arith.constant 1 : i32
    %sub3A_43 = vector.broadcast %sub3A : i32 to vector<512x1xi32>
    %sub3A_44 = arith.subi %div3A_21, %sub3A_43 : vector<512x1xi32>
    %select_n3A = arith.select %and3A_42, %sub3A_44, %div3A_21 : vector<512x1xi1>, vector<512x1xi32>
    %mul3A_45 = arith.constant 56 : i32
    %mul3A_46 = vector.broadcast %mul3A_45 : i32 to vector<512x1xi32>
    %mul3A_47 = arith.muli %mul3A_46, %select_n3A : vector<512x1xi32>
    %mul3A_48 = arith.constant 50 : i32
    %mul3A_49 = vector.broadcast %mul3A_48 : i32 to vector<512x1xi32>
    %mul3A_50 = arith.muli %mul3A_49, %select_n3A : vector<512x1xi32>
    %sub3A_51 = arith.subi %get3A_1, %mul3A_50 : vector<512x1xi32>
    %add3A_52 = arith.addi %mul3A_47, %sub3A_51 : vector<512x1xi32>
    %jit3A_53 = arith.constant 56000 : i32
    %broadcast_in_dim3A_54 = vector.broadcast %jit3A_53 : i32 to vector<512x1xi32>
    %select_n3A_55 = arith.select %broadcast_in_dim3A, %broadcast_in_dim3A_54, %add3A_52 : vector<512x1xi1>, vector<512x1xi32>
    %swap3A = arith.constant 0 : index
    %swap3A_56 = arith.constant 0 : index
    %swap3A_57 = vector.load %arg3[%swap3A, %swap3A_56] : memref<512x1xi32, #tpu.memory_space<vmem>>, vector<512x1xi32>
    tpu.vector_store %arg3[%swap3A, %swap3A_56], %select_n3A_55 {strides = array<i32>} : memref<512x1xi32, #tpu.memory_space<vmem>>, vector<512x1xi32>,
    return
  }
  func.func @transform_0(%arg0: i32) -> (i32, i32) {
    %c0_i32 = arith.constant 0 : i32
    %c0_i32_0 = arith.constant 0 : i32
    return %arg0, %c0_i32 : i32, i32
  }
  func.func @transform_1(%arg0: i32) -> (i32, i32) {
    %c0_i32 = arith.constant 0 : i32
    %c0_i32_0 = arith.constant 0 : i32
    %c0_i32_1 = arith.constant 0 : i32
    return %c0_i32, %c0_i32_0 : i32, i32
  }
  func.func @transform_2(%arg0: i32) -> (i32, i32) {
    %c0_i32 = arith.constant 0 : i32
    %c0_i32_0 = arith.constant 0 : i32
    return %arg0, %c0_i32 : i32, i32
  }
}

module attributes {stable_mosaic.version = 14 : i64} {
  func.func @_stage_body(%arg0: i32, %arg1: memref<2000x512xf32, #tpu.memory_space<vmem>>, %arg2: memref<2240x512xf32, #tpu.memory_space<vmem>>) attributes {dimension_semantics = [#tpu.dimension_semantics<arbitrary>], iteration_bounds = array<i64: 25>, scalar_prefetch = 0 : i64, scratch_operands = 0 : i64, tpu.core_type = #tpu.core_type<tc>, window_params = [{transform_indices = @transform_0, window_bounds = array<i64: 2000, 512>}, {transform_indices = @transform_1, window_bounds = array<i64: 2240, 512>}]} {
    %get3A = arith.constant 0 : index
    %get3A_0 = arith.constant 0 : index
    %get3A_1 = vector.load %arg1[%get3A, %get3A_0] : memref<2000x512xf32, #tpu.memory_space<vmem>>, vector<2000x512xf32>
    %mul3A = arith.mulf %get3A_1, %get3A_1 : vector<2000x512xf32>
    %reduce_sum3A = arith.constant dense<0.000000e+00> : vector<2000xf32>
    %reduce_sum3A_2 = vector.multi_reduction <add>, %mul3A, %reduce_sum3A [1] : vector<2000x512xf32> to vector<2000xf32>
    %broadcast_in_dim3A = vector.shape_cast %reduce_sum3A_2 : vector<2000xf32> to vector<2000x1xf32>
    %sqrt3A = math.sqrt %broadcast_in_dim3A : vector<2000x1xf32>
    %add3A = arith.constant 9.99999993E-9 : f32
    %add3A_3 = vector.broadcast %add3A : f32 to vector<2000x1xf32>
    %add3A_4 = arith.addf %sqrt3A, %add3A_3 : vector<2000x1xf32>
    %div3A = arith.constant 1.000000e+00 : f32
    %div3A_5 = vector.broadcast %div3A : f32 to vector<2000x1xf32>
    %div3A_6 = arith.divf %div3A_5, %add3A_4 : vector<2000x1xf32>
    %mul3A_7 = vector.broadcast %div3A_6 : vector<2000x1xf32> to vector<2000x512xf32>
    %mul3A_8 = arith.mulf %get3A_1, %mul3A_7 : vector<2000x512xf32>
    %slice3A = vector.extract_strided_slice %mul3A_8 {offsets = [0, 0], sizes = [50, 512], strides = [1, 1]} : vector<2000x512xf32> to vector<50x512xf32>
    %swap3A = arith.constant 0 : index
    %swap3A_9 = arith.constant 0 : index
    %swap3A_10 = vector.load %arg2[%swap3A, %swap3A_9] : memref<2240x512xf32, #tpu.memory_space<vmem>>, vector<50x512xf32>
    tpu.vector_store %arg2[%swap3A, %swap3A_9], %slice3A {strides = array<i32>} : memref<2240x512xf32, #tpu.memory_space<vmem>>, vector<50x512xf32>,
    %broadcast_in_dim3A_11 = arith.constant 0.000000e+00 : f32
    %broadcast_in_dim3A_12 = vector.broadcast %broadcast_in_dim3A_11 : f32 to vector<6x512xf32>
    %swap3A_13 = arith.constant 50 : index
    %swap3A_14 = arith.constant 0 : index
    %swap3A_15 = vector.load %arg2[%swap3A_13, %swap3A_14] : memref<2240x512xf32, #tpu.memory_space<vmem>>, vector<6x512xf32>
    tpu.vector_store %arg2[%swap3A_13, %swap3A_14], %broadcast_in_dim3A_12 {strides = array<i32>} : memref<2240x512xf32, #tpu.memory_space<vmem>>, vector<6x512xf32>,
    %slice3A_16 = vector.extract_strided_slice %mul3A_8 {offsets = [50, 0], sizes = [50, 512], strides = [1, 1]} : vector<2000x512xf32> to vector<50x512xf32>
    %swap3A_17 = arith.constant 56 : index
    %swap3A_18 = arith.constant 0 : index
    %swap3A_19 = vector.load %arg2[%swap3A_17, %swap3A_18] : memref<2240x512xf32, #tpu.memory_space<vmem>>, vector<50x512xf32>
    tpu.vector_store %arg2[%swap3A_17, %swap3A_18], %slice3A_16 {strides = array<i32>} : memref<2240x512xf32, #tpu.memory_space<vmem>>, vector<50x512xf32>,
    %broadcast_in_dim3A_20 = arith.constant 0.000000e+00 : f32
    %broadcast_in_dim3A_21 = vector.broadcast %broadcast_in_dim3A_20 : f32 to vector<6x512xf32>
    %swap3A_22 = arith.constant 106 : index
    %swap3A_23 = arith.constant 0 : index
    %swap3A_24 = vector.load %arg2[%swap3A_22, %swap3A_23] : memref<2240x512xf32, #tpu.memory_space<vmem>>, vector<6x512xf32>
    tpu.vector_store %arg2[%swap3A_22, %swap3A_23], %broadcast_in_dim3A_21 {strides = array<i32>} : memref<2240x512xf32, #tpu.memory_space<vmem>>, vector<6x512xf32>,
    %slice3A_25 = vector.extract_strided_slice %mul3A_8 {offsets = [100, 0], sizes = [50, 512], strides = [1, 1]} : vector<2000x512xf32> to vector<50x512xf32>
    %swap3A_26 = arith.constant 112 : index
    %swap3A_27 = arith.constant 0 : index
    %swap3A_28 = vector.load %arg2[%swap3A_26, %swap3A_27] : memref<2240x512xf32, #tpu.memory_space<vmem>>, vector<50x512xf32>
    tpu.vector_store %arg2[%swap3A_26, %swap3A_27], %slice3A_25 {strides = array<i32>} : memref<2240x512xf32, #tpu.memory_space<vmem>>, vector<50x512xf32>,
    %broadcast_in_dim3A_29 = arith.constant 0.000000e+00 : f32
    %broadcast_in_dim3A_30 = vector.broadcast %broadcast_in_dim3A_29 : f32 to vector<6x512xf32>
    %swap3A_31 = arith.constant 162 : index
    %swap3A_32 = arith.constant 0 : index
    %swap3A_33 = vector.load %arg2[%swap3A_31, %swap3A_32] : memref<2240x512xf32, #tpu.memory_space<vmem>>, vector<6x512xf32>
    tpu.vector_store %arg2[%swap3A_31, %swap3A_32], %broadcast_in_dim3A_30 {strides = array<i32>} : memref<2240x512xf32, #tpu.memory_space<vmem>>, vector<6x512xf32>,
    %slice3A_34 = vector.extract_strided_slice %mul3A_8 {offsets = [150, 0], sizes = [50, 512], strides = [1, 1]} : vector<2000x512xf32> to vector<50x512xf32>
    %swap3A_35 = arith.constant 168 : index
    %swap3A_36 = arith.constant 0 : index
    %swap3A_37 = vector.load %arg2[%swap3A_35, %swap3A_36] : memref<2240x512xf32, #tpu.memory_space<vmem>>, vector<50x512xf32>
    tpu.vector_store %arg2[%swap3A_35, %swap3A_36], %slice3A_34 {strides = array<i32>} : memref<2240x512xf32, #tpu.memory_space<vmem>>, vector<50x512xf32>,
    %broadcast_in_dim3A_38 = arith.constant 0.000000e+00 : f32
    %broadcast_in_dim3A_39 = vector.broadcast %broadcast_in_dim3A_38 : f32 to vector<6x512xf32>
    %swap3A_40 = arith.constant 218 : index
    %swap3A_41 = arith.constant 0 : index
    %swap3A_42 = vector.load %arg2[%swap3A_40, %swap3A_41] : memref<2240x512xf32, #tpu.memory_space<vmem>>, vector<6x512xf32>
    tpu.vector_store %arg2[%swap3A_40, %swap3A_41], %broadcast_in_dim3A_39 {strides = array<i32>} : memref<2240x512xf32, #tpu.memory_space<vmem>>, vector<6x512xf32>,
    %slice3A_43 = vector.extract_strided_slice %mul3A_8 {offsets = [200, 0], sizes = [50, 512], strides = [1, 1]} : vector<2000x512xf32> to vector<50x512xf32>
    %swap3A_44 = arith.constant 224 : index
    %swap3A_45 = arith.constant 0 : index
    %swap3A_46 = vector.load %arg2[%swap3A_44, %swap3A_45] : memref<2240x512xf32, #tpu.memory_space<vmem>>, vector<50x512xf32>
    tpu.vector_store %arg2[%swap3A_44, %swap3A_45], %slice3A_43 {strides = array<i32>} : memref<2240x512xf32, #tpu.memory_space<vmem>>, vector<50x512xf32>,
    %broadcast_in_dim3A_47 = arith.constant 0.000000e+00 : f32
    %broadcast_in_dim3A_48 = vector.broadcast %broadcast_in_dim3A_47 : f32 to vector<6x512xf32>
    %swap3A_49 = arith.constant 274 : index
    %swap3A_50 = arith.constant 0 : index
    %swap3A_51 = vector.load %arg2[%swap3A_49, %swap3A_50] : memref<2240x512xf32, #tpu.memory_space<vmem>>, vector<6x512xf32>
    tpu.vector_store %arg2[%swap3A_49, %swap3A_50], %broadcast_in_dim3A_48 {strides = array<i32>} : memref<2240x512xf32, #tpu.memory_space<vmem>>, vector<6x512xf32>,
    %slice3A_52 = vector.extract_strided_slice %mul3A_8 {offsets = [250, 0], sizes = [50, 512], strides = [1, 1]} : vector<2000x512xf32> to vector<50x512xf32>
    %swap3A_53 = arith.constant 280 : index
    %swap3A_54 = arith.constant 0 : index
    %swap3A_55 = vector.load %arg2[%swap3A_53, %swap3A_54] : memref<2240x512xf32, #tpu.memory_space<vmem>>, vector<50x512xf32>
    tpu.vector_store %arg2[%swap3A_53, %swap3A_54], %slice3A_52 {strides = array<i32>} : memref<2240x512xf32, #tpu.memory_space<vmem>>, vector<50x512xf32>,
    %broadcast_in_dim3A_56 = arith.constant 0.000000e+00 : f32
    %broadcast_in_dim3A_57 = vector.broadcast %broadcast_in_dim3A_56 : f32 to vector<6x512xf32>
    %swap3A_58 = arith.constant 330 : index
    %swap3A_59 = arith.constant 0 : index
    %swap3A_60 = vector.load %arg2[%swap3A_58, %swap3A_59] : memref<2240x512xf32, #tpu.memory_space<vmem>>, vector<6x512xf32>
    tpu.vector_store %arg2[%swap3A_58, %swap3A_59], %broadcast_in_dim3A_57 {strides = array<i32>} : memref<2240x512xf32, #tpu.memory_space<vmem>>, vector<6x512xf32>,
    %slice3A_61 = vector.extract_strided_slice %mul3A_8 {offsets = [300, 0], sizes = [50, 512], strides = [1, 1]} : vector<2000x512xf32> to vector<50x512xf32>
    %swap3A_62 = arith.constant 336 : index
    %swap3A_63 = arith.constant 0 : index
    %swap3A_64 = vector.load %arg2[%swap3A_62, %swap3A_63] : memref<2240x512xf32, #tpu.memory_space<vmem>>, vector<50x512xf32>
    tpu.vector_store %arg2[%swap3A_62, %swap3A_63], %slice3A_61 {strides = array<i32>} : memref<2240x512xf32, #tpu.memory_space<vmem>>, vector<50x512xf32>,
    %broadcast_in_dim3A_65 = arith.constant 0.000000e+00 : f32
    %broadcast_in_dim3A_66 = vector.broadcast %broadcast_in_dim3A_65 : f32 to vector<6x512xf32>
    %swap3A_67 = arith.constant 386 : index
    %swap3A_68 = arith.constant 0 : index
    %swap3A_69 = vector.load %arg2[%swap3A_67, %swap3A_68] : memref<2240x512xf32, #tpu.memory_space<vmem>>, vector<6x512xf32>
    tpu.vector_store %arg2[%swap3A_67, %swap3A_68], %broadcast_in_dim3A_66 {strides = array<i32>} : memref<2240x512xf32, #tpu.memory_space<vmem>>, vector<6x512xf32>,
    %slice3A_70 = vector.extract_strided_slice %mul3A_8 {offsets = [350, 0], sizes = [50, 512], strides = [1, 1]} : vector<2000x512xf32> to vector<50x512xf32>
    %swap3A_71 = arith.constant 392 : index
    %swap3A_72 = arith.constant 0 : index
    %swap3A_73 = vector.load %arg2[%swap3A_71, %swap3A_72] : memref<2240x512xf32, #tpu.memory_space<vmem>>, vector<50x512xf32>
    tpu.vector_store %arg2[%swap3A_71, %swap3A_72], %slice3A_70 {strides = array<i32>} : memref<2240x512xf32, #tpu.memory_space<vmem>>, vector<50x512xf32>,
    %broadcast_in_dim3A_74 = arith.constant 0.000000e+00 : f32
    %broadcast_in_dim3A_75 = vector.broadcast %broadcast_in_dim3A_74 : f32 to vector<6x512xf32>
    %swap3A_76 = arith.constant 442 : index
    %swap3A_77 = arith.constant 0 : index
    %swap3A_78 = vector.load %arg2[%swap3A_76, %swap3A_77] : memref<2240x512xf32, #tpu.memory_space<vmem>>, vector<6x512xf32>
    tpu.vector_store %arg2[%swap3A_76, %swap3A_77], %broadcast_in_dim3A_75 {strides = array<i32>} : memref<2240x512xf32, #tpu.memory_space<vmem>>, vector<6x512xf32>,
    %slice3A_79 = vector.extract_strided_slice %mul3A_8 {offsets = [400, 0], sizes = [50, 512], strides = [1, 1]} : vector<2000x512xf32> to vector<50x512xf32>
    %swap3A_80 = arith.constant 448 : index
    %swap3A_81 = arith.constant 0 : index
    %swap3A_82 = vector.load %arg2[%swap3A_80, %swap3A_81] : memref<2240x512xf32, #tpu.memory_space<vmem>>, vector<50x512xf32>
    tpu.vector_store %arg2[%swap3A_80, %swap3A_81], %slice3A_79 {strides = array<i32>} : memref<2240x512xf32, #tpu.memory_space<vmem>>, vector<50x512xf32>,
    %broadcast_in_dim3A_83 = arith.constant 0.000000e+00 : f32
    %broadcast_in_dim3A_84 = vector.broadcast %broadcast_in_dim3A_83 : f32 to vector<6x512xf32>
    %swap3A_85 = arith.constant 498 : index
    %swap3A_86 = arith.constant 0 : index
    %swap3A_87 = vector.load %arg2[%swap3A_85, %swap3A_86] : memref<2240x512xf32, #tpu.memory_space<vmem>>, vector<6x512xf32>
    tpu.vector_store %arg2[%swap3A_85, %swap3A_86], %broadcast_in_dim3A_84 {strides = array<i32>} : memref<2240x512xf32, #tpu.memory_space<vmem>>, vector<6x512xf32>,
    %slice3A_88 = vector.extract_strided_slice %mul3A_8 {offsets = [450, 0], sizes = [50, 512], strides = [1, 1]} : vector<2000x512xf32> to vector<50x512xf32>
    %swap3A_89 = arith.constant 504 : index
    %swap3A_90 = arith.constant 0 : index
    %swap3A_91 = vector.load %arg2[%swap3A_89, %swap3A_90] : memref<2240x512xf32, #tpu.memory_space<vmem>>, vector<50x512xf32>
    tpu.vector_store %arg2[%swap3A_89, %swap3A_90], %slice3A_88 {strides = array<i32>} : memref<2240x512xf32, #tpu.memory_space<vmem>>, vector<50x512xf32>,
    %broadcast_in_dim3A_92 = arith.constant 0.000000e+00 : f32
    %broadcast_in_dim3A_93 = vector.broadcast %broadcast_in_dim3A_92 : f32 to vector<6x512xf32>
    %swap3A_94 = arith.constant 554 : index
    %swap3A_95 = arith.constant 0 : index
    %swap3A_96 = vector.load %arg2[%swap3A_94, %swap3A_95] : memref<2240x512xf32, #tpu.memory_space<vmem>>, vector<6x512xf32>
    tpu.vector_store %arg2[%swap3A_94, %swap3A_95], %broadcast_in_dim3A_93 {strides = array<i32>} : memref<2240x512xf32, #tpu.memory_space<vmem>>, vector<6x512xf32>,
    %slice3A_97 = vector.extract_strided_slice %mul3A_8 {offsets = [500, 0], sizes = [50, 512], strides = [1, 1]} : vector<2000x512xf32> to vector<50x512xf32>
    %swap3A_98 = arith.constant 560 : index
    %swap3A_99 = arith.constant 0 : index
    %swap3A_100 = vector.load %arg2[%swap3A_98, %swap3A_99] : memref<2240x512xf32, #tpu.memory_space<vmem>>, vector<50x512xf32>
    tpu.vector_store %arg2[%swap3A_98, %swap3A_99], %slice3A_97 {strides = array<i32>} : memref<2240x512xf32, #tpu.memory_space<vmem>>, vector<50x512xf32>,
    %broadcast_in_dim3A_101 = arith.constant 0.000000e+00 : f32
    %broadcast_in_dim3A_102 = vector.broadcast %broadcast_in_dim3A_101 : f32 to vector<6x512xf32>
    %swap3A_103 = arith.constant 610 : index
    %swap3A_104 = arith.constant 0 : index
    %swap3A_105 = vector.load %arg2[%swap3A_103, %swap3A_104] : memref<2240x512xf32, #tpu.memory_space<vmem>>, vector<6x512xf32>
    tpu.vector_store %arg2[%swap3A_103, %swap3A_104], %broadcast_in_dim3A_102 {strides = array<i32>} : memref<2240x512xf32, #tpu.memory_space<vmem>>, vector<6x512xf32>,
    %slice3A_106 = vector.extract_strided_slice %mul3A_8 {offsets = [550, 0], sizes = [50, 512], strides = [1, 1]} : vector<2000x512xf32> to vector<50x512xf32>
    %swap3A_107 = arith.constant 616 : index
    %swap3A_108 = arith.constant 0 : index
    %swap3A_109 = vector.load %arg2[%swap3A_107, %swap3A_108] : memref<2240x512xf32, #tpu.memory_space<vmem>>, vector<50x512xf32>
    tpu.vector_store %arg2[%swap3A_107, %swap3A_108], %slice3A_106 {strides = array<i32>} : memref<2240x512xf32, #tpu.memory_space<vmem>>, vector<50x512xf32>,
    %broadcast_in_dim3A_110 = arith.constant 0.000000e+00 : f32
    %broadcast_in_dim3A_111 = vector.broadcast %broadcast_in_dim3A_110 : f32 to vector<6x512xf32>
    %swap3A_112 = arith.constant 666 : index
    %swap3A_113 = arith.constant 0 : index
    %swap3A_114 = vector.load %arg2[%swap3A_112, %swap3A_113] : memref<2240x512xf32, #tpu.memory_space<vmem>>, vector<6x512xf32>
    tpu.vector_store %arg2[%swap3A_112, %swap3A_113], %broadcast_in_dim3A_111 {strides = array<i32>} : memref<2240x512xf32, #tpu.memory_space<vmem>>, vector<6x512xf32>,
    %slice3A_115 = vector.extract_strided_slice %mul3A_8 {offsets = [600, 0], sizes = [50, 512], strides = [1, 1]} : vector<2000x512xf32> to vector<50x512xf32>
    %swap3A_116 = arith.constant 672 : index
    %swap3A_117 = arith.constant 0 : index
    %swap3A_118 = vector.load %arg2[%swap3A_116, %swap3A_117] : memref<2240x512xf32, #tpu.memory_space<vmem>>, vector<50x512xf32>
    tpu.vector_store %arg2[%swap3A_116, %swap3A_117], %slice3A_115 {strides = array<i32>} : memref<2240x512xf32, #tpu.memory_space<vmem>>, vector<50x512xf32>,
    %broadcast_in_dim3A_119 = arith.constant 0.000000e+00 : f32
    %broadcast_in_dim3A_120 = vector.broadcast %broadcast_in_dim3A_119 : f32 to vector<6x512xf32>
    %swap3A_121 = arith.constant 722 : index
    %swap3A_122 = arith.constant 0 : index
    %swap3A_123 = vector.load %arg2[%swap3A_121, %swap3A_122] : memref<2240x512xf32, #tpu.memory_space<vmem>>, vector<6x512xf32>
    tpu.vector_store %arg2[%swap3A_121, %swap3A_122], %broadcast_in_dim3A_120 {strides = array<i32>} : memref<2240x512xf32, #tpu.memory_space<vmem>>, vector<6x512xf32>,
    %slice3A_124 = vector.extract_strided_slice %mul3A_8 {offsets = [650, 0], sizes = [50, 512], strides = [1, 1]} : vector<2000x512xf32> to vector<50x512xf32>
    %swap3A_125 = arith.constant 728 : index
    %swap3A_126 = arith.constant 0 : index
    %swap3A_127 = vector.load %arg2[%swap3A_125, %swap3A_126] : memref<2240x512xf32, #tpu.memory_space<vmem>>, vector<50x512xf32>
    tpu.vector_store %arg2[%swap3A_125, %swap3A_126], %slice3A_124 {strides = array<i32>} : memref<2240x512xf32, #tpu.memory_space<vmem>>, vector<50x512xf32>,
    %broadcast_in_dim3A_128 = arith.constant 0.000000e+00 : f32
    %broadcast_in_dim3A_129 = vector.broadcast %broadcast_in_dim3A_128 : f32 to vector<6x512xf32>
    %swap3A_130 = arith.constant 778 : index
    %swap3A_131 = arith.constant 0 : index
    %swap3A_132 = vector.load %arg2[%swap3A_130, %swap3A_131] : memref<2240x512xf32, #tpu.memory_space<vmem>>, vector<6x512xf32>
    tpu.vector_store %arg2[%swap3A_130, %swap3A_131], %broadcast_in_dim3A_129 {strides = array<i32>} : memref<2240x512xf32, #tpu.memory_space<vmem>>, vector<6x512xf32>,
    %slice3A_133 = vector.extract_strided_slice %mul3A_8 {offsets = [700, 0], sizes = [50, 512], strides = [1, 1]} : vector<2000x512xf32> to vector<50x512xf32>
    %swap3A_134 = arith.constant 784 : index
    %swap3A_135 = arith.constant 0 : index
    %swap3A_136 = vector.load %arg2[%swap3A_134, %swap3A_135] : memref<2240x512xf32, #tpu.memory_space<vmem>>, vector<50x512xf32>
    tpu.vector_store %arg2[%swap3A_134, %swap3A_135], %slice3A_133 {strides = array<i32>} : memref<2240x512xf32, #tpu.memory_space<vmem>>, vector<50x512xf32>,
    %broadcast_in_dim3A_137 = arith.constant 0.000000e+00 : f32
    %broadcast_in_dim3A_138 = vector.broadcast %broadcast_in_dim3A_137 : f32 to vector<6x512xf32>
    %swap3A_139 = arith.constant 834 : index
    %swap3A_140 = arith.constant 0 : index
    %swap3A_141 = vector.load %arg2[%swap3A_139, %swap3A_140] : memref<2240x512xf32, #tpu.memory_space<vmem>>, vector<6x512xf32>
    tpu.vector_store %arg2[%swap3A_139, %swap3A_140], %broadcast_in_dim3A_138 {strides = array<i32>} : memref<2240x512xf32, #tpu.memory_space<vmem>>, vector<6x512xf32>,
    %slice3A_142 = vector.extract_strided_slice %mul3A_8 {offsets = [750, 0], sizes = [50, 512], strides = [1, 1]} : vector<2000x512xf32> to vector<50x512xf32>
    %swap3A_143 = arith.constant 840 : index
    %swap3A_144 = arith.constant 0 : index
    %swap3A_145 = vector.load %arg2[%swap3A_143, %swap3A_144] : memref<2240x512xf32, #tpu.memory_space<vmem>>, vector<50x512xf32>
    tpu.vector_store %arg2[%swap3A_143, %swap3A_144], %slice3A_142 {strides = array<i32>} : memref<2240x512xf32, #tpu.memory_space<vmem>>, vector<50x512xf32>,
    %broadcast_in_dim3A_146 = arith.constant 0.000000e+00 : f32
    %broadcast_in_dim3A_147 = vector.broadcast %broadcast_in_dim3A_146 : f32 to vector<6x512xf32>
    %swap3A_148 = arith.constant 890 : index
    %swap3A_149 = arith.constant 0 : index
    %swap3A_150 = vector.load %arg2[%swap3A_148, %swap3A_149] : memref<2240x512xf32, #tpu.memory_space<vmem>>, vector<6x512xf32>
    tpu.vector_store %arg2[%swap3A_148, %swap3A_149], %broadcast_in_dim3A_147 {strides = array<i32>} : memref<2240x512xf32, #tpu.memory_space<vmem>>, vector<6x512xf32>,
    %slice3A_151 = vector.extract_strided_slice %mul3A_8 {offsets = [800, 0], sizes = [50, 512], strides = [1, 1]} : vector<2000x512xf32> to vector<50x512xf32>
    %swap3A_152 = arith.constant 896 : index
    %swap3A_153 = arith.constant 0 : index
    %swap3A_154 = vector.load %arg2[%swap3A_152, %swap3A_153] : memref<2240x512xf32, #tpu.memory_space<vmem>>, vector<50x512xf32>
    tpu.vector_store %arg2[%swap3A_152, %swap3A_153], %slice3A_151 {strides = array<i32>} : memref<2240x512xf32, #tpu.memory_space<vmem>>, vector<50x512xf32>,
    %broadcast_in_dim3A_155 = arith.constant 0.000000e+00 : f32
    %broadcast_in_dim3A_156 = vector.broadcast %broadcast_in_dim3A_155 : f32 to vector<6x512xf32>
    %swap3A_157 = arith.constant 946 : index
    %swap3A_158 = arith.constant 0 : index
    %swap3A_159 = vector.load %arg2[%swap3A_157, %swap3A_158] : memref<2240x512xf32, #tpu.memory_space<vmem>>, vector<6x512xf32>
    tpu.vector_store %arg2[%swap3A_157, %swap3A_158], %broadcast_in_dim3A_156 {strides = array<i32>} : memref<2240x512xf32, #tpu.memory_space<vmem>>, vector<6x512xf32>,
    %slice3A_160 = vector.extract_strided_slice %mul3A_8 {offsets = [850, 0], sizes = [50, 512], strides = [1, 1]} : vector<2000x512xf32> to vector<50x512xf32>
    %swap3A_161 = arith.constant 952 : index
    %swap3A_162 = arith.constant 0 : index
    %swap3A_163 = vector.load %arg2[%swap3A_161, %swap3A_162] : memref<2240x512xf32, #tpu.memory_space<vmem>>, vector<50x512xf32>
    tpu.vector_store %arg2[%swap3A_161, %swap3A_162], %slice3A_160 {strides = array<i32>} : memref<2240x512xf32, #tpu.memory_space<vmem>>, vector<50x512xf32>,
    %broadcast_in_dim3A_164 = arith.constant 0.000000e+00 : f32
    %broadcast_in_dim3A_165 = vector.broadcast %broadcast_in_dim3A_164 : f32 to vector<6x512xf32>
    %swap3A_166 = arith.constant 1002 : index
    %swap3A_167 = arith.constant 0 : index
    %swap3A_168 = vector.load %arg2[%swap3A_166, %swap3A_167] : memref<2240x512xf32, #tpu.memory_space<vmem>>, vector<6x512xf32>
    tpu.vector_store %arg2[%swap3A_166, %swap3A_167], %broadcast_in_dim3A_165 {strides = array<i32>} : memref<2240x512xf32, #tpu.memory_space<vmem>>, vector<6x512xf32>,
    %slice3A_169 = vector.extract_strided_slice %mul3A_8 {offsets = [900, 0], sizes = [50, 512], strides = [1, 1]} : vector<2000x512xf32> to vector<50x512xf32>
    %swap3A_170 = arith.constant 1008 : index
    %swap3A_171 = arith.constant 0 : index
    %swap3A_172 = vector.load %arg2[%swap3A_170, %swap3A_171] : memref<2240x512xf32, #tpu.memory_space<vmem>>, vector<50x512xf32>
    tpu.vector_store %arg2[%swap3A_170, %swap3A_171], %slice3A_169 {strides = array<i32>} : memref<2240x512xf32, #tpu.memory_space<vmem>>, vector<50x512xf32>,
    %broadcast_in_dim3A_173 = arith.constant 0.000000e+00 : f32
    %broadcast_in_dim3A_174 = vector.broadcast %broadcast_in_dim3A_173 : f32 to vector<6x512xf32>
    %swap3A_175 = arith.constant 1058 : index
    %swap3A_176 = arith.constant 0 : index
    %swap3A_177 = vector.load %arg2[%swap3A_175, %swap3A_176] : memref<2240x512xf32, #tpu.memory_space<vmem>>, vector<6x512xf32>
    tpu.vector_store %arg2[%swap3A_175, %swap3A_176], %broadcast_in_dim3A_174 {strides = array<i32>} : memref<2240x512xf32, #tpu.memory_space<vmem>>, vector<6x512xf32>,
    %slice3A_178 = vector.extract_strided_slice %mul3A_8 {offsets = [950, 0], sizes = [50, 512], strides = [1, 1]} : vector<2000x512xf32> to vector<50x512xf32>
    %swap3A_179 = arith.constant 1064 : index
    %swap3A_180 = arith.constant 0 : index
    %swap3A_181 = vector.load %arg2[%swap3A_179, %swap3A_180] : memref<2240x512xf32, #tpu.memory_space<vmem>>, vector<50x512xf32>
    tpu.vector_store %arg2[%swap3A_179, %swap3A_180], %slice3A_178 {strides = array<i32>} : memref<2240x512xf32, #tpu.memory_space<vmem>>, vector<50x512xf32>,
    %broadcast_in_dim3A_182 = arith.constant 0.000000e+00 : f32
    %broadcast_in_dim3A_183 = vector.broadcast %broadcast_in_dim3A_182 : f32 to vector<6x512xf32>
    %swap3A_184 = arith.constant 1114 : index
    %swap3A_185 = arith.constant 0 : index
    %swap3A_186 = vector.load %arg2[%swap3A_184, %swap3A_185] : memref<2240x512xf32, #tpu.memory_space<vmem>>, vector<6x512xf32>
    tpu.vector_store %arg2[%swap3A_184, %swap3A_185], %broadcast_in_dim3A_183 {strides = array<i32>} : memref<2240x512xf32, #tpu.memory_space<vmem>>, vector<6x512xf32>,
    %slice3A_187 = vector.extract_strided_slice %mul3A_8 {offsets = [1000, 0], sizes = [50, 512], strides = [1, 1]} : vector<2000x512xf32> to vector<50x512xf32>
    %swap3A_188 = arith.constant 1120 : index
    %swap3A_189 = arith.constant 0 : index
    %swap3A_190 = vector.load %arg2[%swap3A_188, %swap3A_189] : memref<2240x512xf32, #tpu.memory_space<vmem>>, vector<50x512xf32>
    tpu.vector_store %arg2[%swap3A_188, %swap3A_189], %slice3A_187 {strides = array<i32>} : memref<2240x512xf32, #tpu.memory_space<vmem>>, vector<50x512xf32>,
    %broadcast_in_dim3A_191 = arith.constant 0.000000e+00 : f32
    %broadcast_in_dim3A_192 = vector.broadcast %broadcast_in_dim3A_191 : f32 to vector<6x512xf32>
    %swap3A_193 = arith.constant 1170 : index
    %swap3A_194 = arith.constant 0 : index
    %swap3A_195 = vector.load %arg2[%swap3A_193, %swap3A_194] : memref<2240x512xf32, #tpu.memory_space<vmem>>, vector<6x512xf32>
    tpu.vector_store %arg2[%swap3A_193, %swap3A_194], %broadcast_in_dim3A_192 {strides = array<i32>} : memref<2240x512xf32, #tpu.memory_space<vmem>>, vector<6x512xf32>,
    %slice3A_196 = vector.extract_strided_slice %mul3A_8 {offsets = [1050, 0], sizes = [50, 512], strides = [1, 1]} : vector<2000x512xf32> to vector<50x512xf32>
    %swap3A_197 = arith.constant 1176 : index
    %swap3A_198 = arith.constant 0 : index
    %swap3A_199 = vector.load %arg2[%swap3A_197, %swap3A_198] : memref<2240x512xf32, #tpu.memory_space<vmem>>, vector<50x512xf32>
    tpu.vector_store %arg2[%swap3A_197, %swap3A_198], %slice3A_196 {strides = array<i32>} : memref<2240x512xf32, #tpu.memory_space<vmem>>, vector<50x512xf32>,
    %broadcast_in_dim3A_200 = arith.constant 0.000000e+00 : f32
    %broadcast_in_dim3A_201 = vector.broadcast %broadcast_in_dim3A_200 : f32 to vector<6x512xf32>
    %swap3A_202 = arith.constant 1226 : index
    %swap3A_203 = arith.constant 0 : index
    %swap3A_204 = vector.load %arg2[%swap3A_202, %swap3A_203] : memref<2240x512xf32, #tpu.memory_space<vmem>>, vector<6x512xf32>
    tpu.vector_store %arg2[%swap3A_202, %swap3A_203], %broadcast_in_dim3A_201 {strides = array<i32>} : memref<2240x512xf32, #tpu.memory_space<vmem>>, vector<6x512xf32>,
    %slice3A_205 = vector.extract_strided_slice %mul3A_8 {offsets = [1100, 0], sizes = [50, 512], strides = [1, 1]} : vector<2000x512xf32> to vector<50x512xf32>
    %swap3A_206 = arith.constant 1232 : index
    %swap3A_207 = arith.constant 0 : index
    %swap3A_208 = vector.load %arg2[%swap3A_206, %swap3A_207] : memref<2240x512xf32, #tpu.memory_space<vmem>>, vector<50x512xf32>
    tpu.vector_store %arg2[%swap3A_206, %swap3A_207], %slice3A_205 {strides = array<i32>} : memref<2240x512xf32, #tpu.memory_space<vmem>>, vector<50x512xf32>,
    %broadcast_in_dim3A_209 = arith.constant 0.000000e+00 : f32
    %broadcast_in_dim3A_210 = vector.broadcast %broadcast_in_dim3A_209 : f32 to vector<6x512xf32>
    %swap3A_211 = arith.constant 1282 : index
    %swap3A_212 = arith.constant 0 : index
    %swap3A_213 = vector.load %arg2[%swap3A_211, %swap3A_212] : memref<2240x512xf32, #tpu.memory_space<vmem>>, vector<6x512xf32>
    tpu.vector_store %arg2[%swap3A_211, %swap3A_212], %broadcast_in_dim3A_210 {strides = array<i32>} : memref<2240x512xf32, #tpu.memory_space<vmem>>, vector<6x512xf32>,
    %slice3A_214 = vector.extract_strided_slice %mul3A_8 {offsets = [1150, 0], sizes = [50, 512], strides = [1, 1]} : vector<2000x512xf32> to vector<50x512xf32>
    %swap3A_215 = arith.constant 1288 : index
    %swap3A_216 = arith.constant 0 : index
    %swap3A_217 = vector.load %arg2[%swap3A_215, %swap3A_216] : memref<2240x512xf32, #tpu.memory_space<vmem>>, vector<50x512xf32>
    tpu.vector_store %arg2[%swap3A_215, %swap3A_216], %slice3A_214 {strides = array<i32>} : memref<2240x512xf32, #tpu.memory_space<vmem>>, vector<50x512xf32>,
    %broadcast_in_dim3A_218 = arith.constant 0.000000e+00 : f32
    %broadcast_in_dim3A_219 = vector.broadcast %broadcast_in_dim3A_218 : f32 to vector<6x512xf32>
    %swap3A_220 = arith.constant 1338 : index
    %swap3A_221 = arith.constant 0 : index
    %swap3A_222 = vector.load %arg2[%swap3A_220, %swap3A_221] : memref<2240x512xf32, #tpu.memory_space<vmem>>, vector<6x512xf32>
    tpu.vector_store %arg2[%swap3A_220, %swap3A_221], %broadcast_in_dim3A_219 {strides = array<i32>} : memref<2240x512xf32, #tpu.memory_space<vmem>>, vector<6x512xf32>,
    %slice3A_223 = vector.extract_strided_slice %mul3A_8 {offsets = [1200, 0], sizes = [50, 512], strides = [1, 1]} : vector<2000x512xf32> to vector<50x512xf32>
    %swap3A_224 = arith.constant 1344 : index
    %swap3A_225 = arith.constant 0 : index
    %swap3A_226 = vector.load %arg2[%swap3A_224, %swap3A_225] : memref<2240x512xf32, #tpu.memory_space<vmem>>, vector<50x512xf32>
    tpu.vector_store %arg2[%swap3A_224, %swap3A_225], %slice3A_223 {strides = array<i32>} : memref<2240x512xf32, #tpu.memory_space<vmem>>, vector<50x512xf32>,
    %broadcast_in_dim3A_227 = arith.constant 0.000000e+00 : f32
    %broadcast_in_dim3A_228 = vector.broadcast %broadcast_in_dim3A_227 : f32 to vector<6x512xf32>
    %swap3A_229 = arith.constant 1394 : index
    %swap3A_230 = arith.constant 0 : index
    %swap3A_231 = vector.load %arg2[%swap3A_229, %swap3A_230] : memref<2240x512xf32, #tpu.memory_space<vmem>>, vector<6x512xf32>
    tpu.vector_store %arg2[%swap3A_229, %swap3A_230], %broadcast_in_dim3A_228 {strides = array<i32>} : memref<2240x512xf32, #tpu.memory_space<vmem>>, vector<6x512xf32>,
    %slice3A_232 = vector.extract_strided_slice %mul3A_8 {offsets = [1250, 0], sizes = [50, 512], strides = [1, 1]} : vector<2000x512xf32> to vector<50x512xf32>
    %swap3A_233 = arith.constant 1400 : index
    %swap3A_234 = arith.constant 0 : index
    %swap3A_235 = vector.load %arg2[%swap3A_233, %swap3A_234] : memref<2240x512xf32, #tpu.memory_space<vmem>>, vector<50x512xf32>
    tpu.vector_store %arg2[%swap3A_233, %swap3A_234], %slice3A_232 {strides = array<i32>} : memref<2240x512xf32, #tpu.memory_space<vmem>>, vector<50x512xf32>,
    %broadcast_in_dim3A_236 = arith.constant 0.000000e+00 : f32
    %broadcast_in_dim3A_237 = vector.broadcast %broadcast_in_dim3A_236 : f32 to vector<6x512xf32>
    %swap3A_238 = arith.constant 1450 : index
    %swap3A_239 = arith.constant 0 : index
    %swap3A_240 = vector.load %arg2[%swap3A_238, %swap3A_239] : memref<2240x512xf32, #tpu.memory_space<vmem>>, vector<6x512xf32>
    tpu.vector_store %arg2[%swap3A_238, %swap3A_239], %broadcast_in_dim3A_237 {strides = array<i32>} : memref<2240x512xf32, #tpu.memory_space<vmem>>, vector<6x512xf32>,
    %slice3A_241 = vector.extract_strided_slice %mul3A_8 {offsets = [1300, 0], sizes = [50, 512], strides = [1, 1]} : vector<2000x512xf32> to vector<50x512xf32>
    %swap3A_242 = arith.constant 1456 : index
    %swap3A_243 = arith.constant 0 : index
    %swap3A_244 = vector.load %arg2[%swap3A_242, %swap3A_243] : memref<2240x512xf32, #tpu.memory_space<vmem>>, vector<50x512xf32>
    tpu.vector_store %arg2[%swap3A_242, %swap3A_243], %slice3A_241 {strides = array<i32>} : memref<2240x512xf32, #tpu.memory_space<vmem>>, vector<50x512xf32>,
    %broadcast_in_dim3A_245 = arith.constant 0.000000e+00 : f32
    %broadcast_in_dim3A_246 = vector.broadcast %broadcast_in_dim3A_245 : f32 to vector<6x512xf32>
    %swap3A_247 = arith.constant 1506 : index
    %swap3A_248 = arith.constant 0 : index
    %swap3A_249 = vector.load %arg2[%swap3A_247, %swap3A_248] : memref<2240x512xf32, #tpu.memory_space<vmem>>, vector<6x512xf32>
    tpu.vector_store %arg2[%swap3A_247, %swap3A_248], %broadcast_in_dim3A_246 {strides = array<i32>} : memref<2240x512xf32, #tpu.memory_space<vmem>>, vector<6x512xf32>,
    %slice3A_250 = vector.extract_strided_slice %mul3A_8 {offsets = [1350, 0], sizes = [50, 512], strides = [1, 1]} : vector<2000x512xf32> to vector<50x512xf32>
    %swap3A_251 = arith.constant 1512 : index
    %swap3A_252 = arith.constant 0 : index
    %swap3A_253 = vector.load %arg2[%swap3A_251, %swap3A_252] : memref<2240x512xf32, #tpu.memory_space<vmem>>, vector<50x512xf32>
    tpu.vector_store %arg2[%swap3A_251, %swap3A_252], %slice3A_250 {strides = array<i32>} : memref<2240x512xf32, #tpu.memory_space<vmem>>, vector<50x512xf32>,
    %broadcast_in_dim3A_254 = arith.constant 0.000000e+00 : f32
    %broadcast_in_dim3A_255 = vector.broadcast %broadcast_in_dim3A_254 : f32 to vector<6x512xf32>
    %swap3A_256 = arith.constant 1562 : index
    %swap3A_257 = arith.constant 0 : index
    %swap3A_258 = vector.load %arg2[%swap3A_256, %swap3A_257] : memref<2240x512xf32, #tpu.memory_space<vmem>>, vector<6x512xf32>
    tpu.vector_store %arg2[%swap3A_256, %swap3A_257], %broadcast_in_dim3A_255 {strides = array<i32>} : memref<2240x512xf32, #tpu.memory_space<vmem>>, vector<6x512xf32>,
    %slice3A_259 = vector.extract_strided_slice %mul3A_8 {offsets = [1400, 0], sizes = [50, 512], strides = [1, 1]} : vector<2000x512xf32> to vector<50x512xf32>
    %swap3A_260 = arith.constant 1568 : index
    %swap3A_261 = arith.constant 0 : index
    %swap3A_262 = vector.load %arg2[%swap3A_260, %swap3A_261] : memref<2240x512xf32, #tpu.memory_space<vmem>>, vector<50x512xf32>
    tpu.vector_store %arg2[%swap3A_260, %swap3A_261], %slice3A_259 {strides = array<i32>} : memref<2240x512xf32, #tpu.memory_space<vmem>>, vector<50x512xf32>,
    %broadcast_in_dim3A_263 = arith.constant 0.000000e+00 : f32
    %broadcast_in_dim3A_264 = vector.broadcast %broadcast_in_dim3A_263 : f32 to vector<6x512xf32>
    %swap3A_265 = arith.constant 1618 : index
    %swap3A_266 = arith.constant 0 : index
    %swap3A_267 = vector.load %arg2[%swap3A_265, %swap3A_266] : memref<2240x512xf32, #tpu.memory_space<vmem>>, vector<6x512xf32>
    tpu.vector_store %arg2[%swap3A_265, %swap3A_266], %broadcast_in_dim3A_264 {strides = array<i32>} : memref<2240x512xf32, #tpu.memory_space<vmem>>, vector<6x512xf32>,
    %slice3A_268 = vector.extract_strided_slice %mul3A_8 {offsets = [1450, 0], sizes = [50, 512], strides = [1, 1]} : vector<2000x512xf32> to vector<50x512xf32>
    %swap3A_269 = arith.constant 1624 : index
    %swap3A_270 = arith.constant 0 : index
    %swap3A_271 = vector.load %arg2[%swap3A_269, %swap3A_270] : memref<2240x512xf32, #tpu.memory_space<vmem>>, vector<50x512xf32>
    tpu.vector_store %arg2[%swap3A_269, %swap3A_270], %slice3A_268 {strides = array<i32>} : memref<2240x512xf32, #tpu.memory_space<vmem>>, vector<50x512xf32>,
    %broadcast_in_dim3A_272 = arith.constant 0.000000e+00 : f32
    %broadcast_in_dim3A_273 = vector.broadcast %broadcast_in_dim3A_272 : f32 to vector<6x512xf32>
    %swap3A_274 = arith.constant 1674 : index
    %swap3A_275 = arith.constant 0 : index
    %swap3A_276 = vector.load %arg2[%swap3A_274, %swap3A_275] : memref<2240x512xf32, #tpu.memory_space<vmem>>, vector<6x512xf32>
    tpu.vector_store %arg2[%swap3A_274, %swap3A_275], %broadcast_in_dim3A_273 {strides = array<i32>} : memref<2240x512xf32, #tpu.memory_space<vmem>>, vector<6x512xf32>,
    %slice3A_277 = vector.extract_strided_slice %mul3A_8 {offsets = [1500, 0], sizes = [50, 512], strides = [1, 1]} : vector<2000x512xf32> to vector<50x512xf32>
    %swap3A_278 = arith.constant 1680 : index
    %swap3A_279 = arith.constant 0 : index
    %swap3A_280 = vector.load %arg2[%swap3A_278, %swap3A_279] : memref<2240x512xf32, #tpu.memory_space<vmem>>, vector<50x512xf32>
    tpu.vector_store %arg2[%swap3A_278, %swap3A_279], %slice3A_277 {strides = array<i32>} : memref<2240x512xf32, #tpu.memory_space<vmem>>, vector<50x512xf32>,
    %broadcast_in_dim3A_281 = arith.constant 0.000000e+00 : f32
    %broadcast_in_dim3A_282 = vector.broadcast %broadcast_in_dim3A_281 : f32 to vector<6x512xf32>
    %swap3A_283 = arith.constant 1730 : index
    %swap3A_284 = arith.constant 0 : index
    %swap3A_285 = vector.load %arg2[%swap3A_283, %swap3A_284] : memref<2240x512xf32, #tpu.memory_space<vmem>>, vector<6x512xf32>
    tpu.vector_store %arg2[%swap3A_283, %swap3A_284], %broadcast_in_dim3A_282 {strides = array<i32>} : memref<2240x512xf32, #tpu.memory_space<vmem>>, vector<6x512xf32>,
    %slice3A_286 = vector.extract_strided_slice %mul3A_8 {offsets = [1550, 0], sizes = [50, 512], strides = [1, 1]} : vector<2000x512xf32> to vector<50x512xf32>
    %swap3A_287 = arith.constant 1736 : index
    %swap3A_288 = arith.constant 0 : index
    %swap3A_289 = vector.load %arg2[%swap3A_287, %swap3A_288] : memref<2240x512xf32, #tpu.memory_space<vmem>>, vector<50x512xf32>
    tpu.vector_store %arg2[%swap3A_287, %swap3A_288], %slice3A_286 {strides = array<i32>} : memref<2240x512xf32, #tpu.memory_space<vmem>>, vector<50x512xf32>,
    %broadcast_in_dim3A_290 = arith.constant 0.000000e+00 : f32
    %broadcast_in_dim3A_291 = vector.broadcast %broadcast_in_dim3A_290 : f32 to vector<6x512xf32>
    %swap3A_292 = arith.constant 1786 : index
    %swap3A_293 = arith.constant 0 : index
    %swap3A_294 = vector.load %arg2[%swap3A_292, %swap3A_293] : memref<2240x512xf32, #tpu.memory_space<vmem>>, vector<6x512xf32>
    tpu.vector_store %arg2[%swap3A_292, %swap3A_293], %broadcast_in_dim3A_291 {strides = array<i32>} : memref<2240x512xf32, #tpu.memory_space<vmem>>, vector<6x512xf32>,
    %slice3A_295 = vector.extract_strided_slice %mul3A_8 {offsets = [1600, 0], sizes = [50, 512], strides = [1, 1]} : vector<2000x512xf32> to vector<50x512xf32>
    %swap3A_296 = arith.constant 1792 : index
    %swap3A_297 = arith.constant 0 : index
    %swap3A_298 = vector.load %arg2[%swap3A_296, %swap3A_297] : memref<2240x512xf32, #tpu.memory_space<vmem>>, vector<50x512xf32>
    tpu.vector_store %arg2[%swap3A_296, %swap3A_297], %slice3A_295 {strides = array<i32>} : memref<2240x512xf32, #tpu.memory_space<vmem>>, vector<50x512xf32>,
    %broadcast_in_dim3A_299 = arith.constant 0.000000e+00 : f32
    %broadcast_in_dim3A_300 = vector.broadcast %broadcast_in_dim3A_299 : f32 to vector<6x512xf32>
    %swap3A_301 = arith.constant 1842 : index
    %swap3A_302 = arith.constant 0 : index
    %swap3A_303 = vector.load %arg2[%swap3A_301, %swap3A_302] : memref<2240x512xf32, #tpu.memory_space<vmem>>, vector<6x512xf32>
    tpu.vector_store %arg2[%swap3A_301, %swap3A_302], %broadcast_in_dim3A_300 {strides = array<i32>} : memref<2240x512xf32, #tpu.memory_space<vmem>>, vector<6x512xf32>,
    %slice3A_304 = vector.extract_strided_slice %mul3A_8 {offsets = [1650, 0], sizes = [50, 512], strides = [1, 1]} : vector<2000x512xf32> to vector<50x512xf32>
    %swap3A_305 = arith.constant 1848 : index
    %swap3A_306 = arith.constant 0 : index
    %swap3A_307 = vector.load %arg2[%swap3A_305, %swap3A_306] : memref<2240x512xf32, #tpu.memory_space<vmem>>, vector<50x512xf32>
    tpu.vector_store %arg2[%swap3A_305, %swap3A_306], %slice3A_304 {strides = array<i32>} : memref<2240x512xf32, #tpu.memory_space<vmem>>, vector<50x512xf32>,
    %broadcast_in_dim3A_308 = arith.constant 0.000000e+00 : f32
    %broadcast_in_dim3A_309 = vector.broadcast %broadcast_in_dim3A_308 : f32 to vector<6x512xf32>
    %swap3A_310 = arith.constant 1898 : index
    %swap3A_311 = arith.constant 0 : index
    %swap3A_312 = vector.load %arg2[%swap3A_310, %swap3A_311] : memref<2240x512xf32, #tpu.memory_space<vmem>>, vector<6x512xf32>
    tpu.vector_store %arg2[%swap3A_310, %swap3A_311], %broadcast_in_dim3A_309 {strides = array<i32>} : memref<2240x512xf32, #tpu.memory_space<vmem>>, vector<6x512xf32>,
    %slice3A_313 = vector.extract_strided_slice %mul3A_8 {offsets = [1700, 0], sizes = [50, 512], strides = [1, 1]} : vector<2000x512xf32> to vector<50x512xf32>
    %swap3A_314 = arith.constant 1904 : index
    %swap3A_315 = arith.constant 0 : index
    %swap3A_316 = vector.load %arg2[%swap3A_314, %swap3A_315] : memref<2240x512xf32, #tpu.memory_space<vmem>>, vector<50x512xf32>
    tpu.vector_store %arg2[%swap3A_314, %swap3A_315], %slice3A_313 {strides = array<i32>} : memref<2240x512xf32, #tpu.memory_space<vmem>>, vector<50x512xf32>,
    %broadcast_in_dim3A_317 = arith.constant 0.000000e+00 : f32
    %broadcast_in_dim3A_318 = vector.broadcast %broadcast_in_dim3A_317 : f32 to vector<6x512xf32>
    %swap3A_319 = arith.constant 1954 : index
    %swap3A_320 = arith.constant 0 : index
    %swap3A_321 = vector.load %arg2[%swap3A_319, %swap3A_320] : memref<2240x512xf32, #tpu.memory_space<vmem>>, vector<6x512xf32>
    tpu.vector_store %arg2[%swap3A_319, %swap3A_320], %broadcast_in_dim3A_318 {strides = array<i32>} : memref<2240x512xf32, #tpu.memory_space<vmem>>, vector<6x512xf32>,
    %slice3A_322 = vector.extract_strided_slice %mul3A_8 {offsets = [1750, 0], sizes = [50, 512], strides = [1, 1]} : vector<2000x512xf32> to vector<50x512xf32>
    %swap3A_323 = arith.constant 1960 : index
    %swap3A_324 = arith.constant 0 : index
    %swap3A_325 = vector.load %arg2[%swap3A_323, %swap3A_324] : memref<2240x512xf32, #tpu.memory_space<vmem>>, vector<50x512xf32>
    tpu.vector_store %arg2[%swap3A_323, %swap3A_324], %slice3A_322 {strides = array<i32>} : memref<2240x512xf32, #tpu.memory_space<vmem>>, vector<50x512xf32>,
    %broadcast_in_dim3A_326 = arith.constant 0.000000e+00 : f32
    %broadcast_in_dim3A_327 = vector.broadcast %broadcast_in_dim3A_326 : f32 to vector<6x512xf32>
    %swap3A_328 = arith.constant 2010 : index
    %swap3A_329 = arith.constant 0 : index
    %swap3A_330 = vector.load %arg2[%swap3A_328, %swap3A_329] : memref<2240x512xf32, #tpu.memory_space<vmem>>, vector<6x512xf32>
    tpu.vector_store %arg2[%swap3A_328, %swap3A_329], %broadcast_in_dim3A_327 {strides = array<i32>} : memref<2240x512xf32, #tpu.memory_space<vmem>>, vector<6x512xf32>,
    %slice3A_331 = vector.extract_strided_slice %mul3A_8 {offsets = [1800, 0], sizes = [50, 512], strides = [1, 1]} : vector<2000x512xf32> to vector<50x512xf32>
    %swap3A_332 = arith.constant 2016 : index
    %swap3A_333 = arith.constant 0 : index
    %swap3A_334 = vector.load %arg2[%swap3A_332, %swap3A_333] : memref<2240x512xf32, #tpu.memory_space<vmem>>, vector<50x512xf32>
    tpu.vector_store %arg2[%swap3A_332, %swap3A_333], %slice3A_331 {strides = array<i32>} : memref<2240x512xf32, #tpu.memory_space<vmem>>, vector<50x512xf32>,
    %broadcast_in_dim3A_335 = arith.constant 0.000000e+00 : f32
    %broadcast_in_dim3A_336 = vector.broadcast %broadcast_in_dim3A_335 : f32 to vector<6x512xf32>
    %swap3A_337 = arith.constant 2066 : index
    %swap3A_338 = arith.constant 0 : index
    %swap3A_339 = vector.load %arg2[%swap3A_337, %swap3A_338] : memref<2240x512xf32, #tpu.memory_space<vmem>>, vector<6x512xf32>
    tpu.vector_store %arg2[%swap3A_337, %swap3A_338], %broadcast_in_dim3A_336 {strides = array<i32>} : memref<2240x512xf32, #tpu.memory_space<vmem>>, vector<6x512xf32>,
    %slice3A_340 = vector.extract_strided_slice %mul3A_8 {offsets = [1850, 0], sizes = [50, 512], strides = [1, 1]} : vector<2000x512xf32> to vector<50x512xf32>
    %swap3A_341 = arith.constant 2072 : index
    %swap3A_342 = arith.constant 0 : index
    %swap3A_343 = vector.load %arg2[%swap3A_341, %swap3A_342] : memref<2240x512xf32, #tpu.memory_space<vmem>>, vector<50x512xf32>
    tpu.vector_store %arg2[%swap3A_341, %swap3A_342], %slice3A_340 {strides = array<i32>} : memref<2240x512xf32, #tpu.memory_space<vmem>>, vector<50x512xf32>,
    %broadcast_in_dim3A_344 = arith.constant 0.000000e+00 : f32
    %broadcast_in_dim3A_345 = vector.broadcast %broadcast_in_dim3A_344 : f32 to vector<6x512xf32>
    %swap3A_346 = arith.constant 2122 : index
    %swap3A_347 = arith.constant 0 : index
    %swap3A_348 = vector.load %arg2[%swap3A_346, %swap3A_347] : memref<2240x512xf32, #tpu.memory_space<vmem>>, vector<6x512xf32>
    tpu.vector_store %arg2[%swap3A_346, %swap3A_347], %broadcast_in_dim3A_345 {strides = array<i32>} : memref<2240x512xf32, #tpu.memory_space<vmem>>, vector<6x512xf32>,
    %slice3A_349 = vector.extract_strided_slice %mul3A_8 {offsets = [1900, 0], sizes = [50, 512], strides = [1, 1]} : vector<2000x512xf32> to vector<50x512xf32>
    %swap3A_350 = arith.constant 2128 : index
    %swap3A_351 = arith.constant 0 : index
    %swap3A_352 = vector.load %arg2[%swap3A_350, %swap3A_351] : memref<2240x512xf32, #tpu.memory_space<vmem>>, vector<50x512xf32>
    tpu.vector_store %arg2[%swap3A_350, %swap3A_351], %slice3A_349 {strides = array<i32>} : memref<2240x512xf32, #tpu.memory_space<vmem>>, vector<50x512xf32>,
    %broadcast_in_dim3A_353 = arith.constant 0.000000e+00 : f32
    %broadcast_in_dim3A_354 = vector.broadcast %broadcast_in_dim3A_353 : f32 to vector<6x512xf32>
    %swap3A_355 = arith.constant 2178 : index
    %swap3A_356 = arith.constant 0 : index
    %swap3A_357 = vector.load %arg2[%swap3A_355, %swap3A_356] : memref<2240x512xf32, #tpu.memory_space<vmem>>, vector<6x512xf32>
    tpu.vector_store %arg2[%swap3A_355, %swap3A_356], %broadcast_in_dim3A_354 {strides = array<i32>} : memref<2240x512xf32, #tpu.memory_space<vmem>>, vector<6x512xf32>,
    %slice3A_358 = vector.extract_strided_slice %mul3A_8 {offsets = [1950, 0], sizes = [50, 512], strides = [1, 1]} : vector<2000x512xf32> to vector<50x512xf32>
    %swap3A_359 = arith.constant 2184 : index
    %swap3A_360 = arith.constant 0 : index
    %swap3A_361 = vector.load %arg2[%swap3A_359, %swap3A_360] : memref<2240x512xf32, #tpu.memory_space<vmem>>, vector<50x512xf32>
    tpu.vector_store %arg2[%swap3A_359, %swap3A_360], %slice3A_358 {strides = array<i32>} : memref<2240x512xf32, #tpu.memory_space<vmem>>, vector<50x512xf32>,
    %broadcast_in_dim3A_362 = arith.constant 0.000000e+00 : f32
    %broadcast_in_dim3A_363 = vector.broadcast %broadcast_in_dim3A_362 : f32 to vector<6x512xf32>
    %swap3A_364 = arith.constant 2234 : index
    %swap3A_365 = arith.constant 0 : index
    %swap3A_366 = vector.load %arg2[%swap3A_364, %swap3A_365] : memref<2240x512xf32, #tpu.memory_space<vmem>>, vector<6x512xf32>
    tpu.vector_store %arg2[%swap3A_364, %swap3A_365], %broadcast_in_dim3A_363 {strides = array<i32>} : memref<2240x512xf32, #tpu.memory_space<vmem>>, vector<6x512xf32>,
    return
  }
  func.func @transform_0(%arg0: i32) -> (i32, i32) {
    %c0_i32 = arith.constant 0 : i32
    %c0_i32_0 = arith.constant 0 : i32
    return %arg0, %c0_i32 : i32, i32
  }
  func.func @transform_1(%arg0: i32) -> (i32, i32) {
    %c0_i32 = arith.constant 0 : i32
    %c0_i32_0 = arith.constant 0 : i32
    return %arg0, %c0_i32 : i32, i32
  }
}

module attributes {stable_mosaic.version = 14 : i64} {
  func.func @_norm_body(%arg0: memref<64x512xf32, #tpu.memory_space<vmem>>, %arg1: memref<64x512xf32, #tpu.memory_space<vmem>>) attributes {dimension_semantics = [], scalar_prefetch = 0 : i64, scratch_operands = 0 : i64, tpu.core_type = #tpu.core_type<tc>} {
    %get3A = arith.constant 0 : index
    %get3A_0 = arith.constant 0 : index
    %get3A_1 = vector.load %arg0[%get3A, %get3A_0] : memref<64x512xf32, #tpu.memory_space<vmem>>, vector<64x512xf32>
    %mul3A = arith.mulf %get3A_1, %get3A_1 : vector<64x512xf32>
    %reduce_sum3A = arith.constant dense<0.000000e+00> : vector<64xf32>
    %reduce_sum3A_2 = vector.multi_reduction <add>, %mul3A, %reduce_sum3A [1] : vector<64x512xf32> to vector<64xf32>
    %broadcast_in_dim3A = vector.shape_cast %reduce_sum3A_2 : vector<64xf32> to vector<64x1xf32>
    %sqrt3A = math.sqrt %broadcast_in_dim3A : vector<64x1xf32>
    %add3A = arith.constant 9.99999993E-9 : f32
    %add3A_3 = vector.broadcast %add3A : f32 to vector<64x1xf32>
    %add3A_4 = arith.addf %sqrt3A, %add3A_3 : vector<64x1xf32>
    %div3A = arith.constant 1.000000e+00 : f32
    %div3A_5 = vector.broadcast %div3A : f32 to vector<64x1xf32>
    %div3A_6 = arith.divf %div3A_5, %add3A_4 : vector<64x1xf32>
    %mul3A_7 = vector.broadcast %div3A_6 : vector<64x1xf32> to vector<64x512xf32>
    %mul3A_8 = arith.mulf %get3A_1, %mul3A_7 : vector<64x512xf32>
    %swap3A = arith.constant 0 : index
    %swap3A_9 = arith.constant 0 : index
    %swap3A_10 = vector.load %arg1[%swap3A, %swap3A_9] : memref<64x512xf32, #tpu.memory_space<vmem>>, vector<64x512xf32>
    tpu.vector_store %arg1[%swap3A, %swap3A_9], %mul3A_8 {strides = array<i32>} : memref<64x512xf32, #tpu.memory_space<vmem>>, vector<64x512xf32>,
    return
  }
}

module attributes {stable_mosaic.version = 14 : i64} {
  func.func @_readout_body(%arg0: i32, %arg1: memref<2240x512xf32, #tpu.memory_space<vmem>>, %arg2: memref<64x512xf32, #tpu.memory_space<vmem>>, %arg3: memref<40x64xf32, #tpu.memory_space<vmem>>) attributes {dimension_semantics = [#tpu.dimension_semantics<arbitrary>], iteration_bounds = array<i64: 25>, scalar_prefetch = 0 : i64, scratch_operands = 0 : i64, tpu.core_type = #tpu.core_type<tc>, window_params = [{transform_indices = @transform_0, window_bounds = array<i64: 2240, 512>}, {pipeline_mode = #tpu.pipeline_mode<synchronous>, transform_indices = @transform_1, window_bounds = array<i64: 64, 512>}, {transform_indices = @transform_2, window_bounds = array<i64: 40, 64>}]} {
    %get3A = arith.constant 0 : index
    %get3A_0 = arith.constant 0 : index
    %get3A_1 = vector.load %arg2[%get3A, %get3A_0] : memref<64x512xf32, #tpu.memory_space<vmem>>, vector<64x512xf32>
    %get3A_2 = arith.constant 0 : index
    %get3A_3 = arith.constant 0 : index
    %get3A_4 = vector.load %arg1[%get3A_2, %get3A_3] : memref<2240x512xf32, #tpu.memory_space<vmem>>, vector<2240x512xf32>
    %dot_general3A = arith.constant dense<0.000000e+00> : vector<2240x64xf32>
    %dot_general3A_5 = tpu.matmul %get3A_4, %get3A_1, %dot_general3A {dimension_numbers = #tpu.dot_dimension_numbers<[1], [1], [0], [0], [0, 0, 1, 0], [], []>, transpose_lhs_hint = false} : vector<2240x512xf32>, vector<64x512xf32>, vector<2240x64xf32> -> vector<2240x64xf32>
    %reshape3A = vector.shape_cast %dot_general3A_5 : vector<2240x64xf32> to vector<40x56x64xf32>
    %iota3A = tpu.iota {dimensions = array<i32: 1>} : vector<1x56x1xi32>
    %lt3A = arith.constant 50 : i32
    %lt3A_6 = vector.broadcast %lt3A : i32 to vector<1x56x1xi32>
    %lt3A_7 = arith.cmpi slt, %iota3A, %lt3A_6 : vector<1x56x1xi32>
    %mul3A = arith.constant 1.000000e+02 : f32
    %mul3A_8 = vector.broadcast %mul3A : f32 to vector<40x56x64xf32>
    %mul3A_9 = arith.mulf %mul3A_8, %reshape3A : vector<40x56x64xf32>
    %jit3A = arith.constant -3.000000e+38 : f32
    %broadcast_in_dim3A = vector.shape_cast %lt3A_7 : vector<1x56x1xi1> to vector<1x56x1xi1>
    %broadcast_in_dim3A_10 = vector.broadcast %broadcast_in_dim3A : vector<1x56x1xi1> to vector<40x56x64xi1>
    %broadcast_in_dim3A_11 = vector.broadcast %jit3A : f32 to vector<40x56x64xf32>
    %select_n3A = arith.select %broadcast_in_dim3A_10, %mul3A_9, %broadcast_in_dim3A_11 : vector<40x56x64xi1>, vector<40x56x64xf32>
    %reduce_max3A = arith.constant dense<0xFF800000> : vector<40x64xf32>
    %reduce_max3A_12 = vector.multi_reduction <maximumf>, %select_n3A, %reduce_max3A [1] : vector<40x56x64xf32> to vector<40x64xf32>
    %broadcast_in_dim3A_13 = vector.shape_cast %reduce_max3A_12 : vector<40x64xf32> to vector<40x1x64xf32>
    %sub3A = vector.broadcast %broadcast_in_dim3A_13 : vector<40x1x64xf32> to vector<40x56x64xf32>
    %sub3A_14 = arith.subf %select_n3A, %sub3A : vector<40x56x64xf32>
    %exp3A = math.exp %sub3A_14 : vector<40x56x64xf32>
    %reduce_sum3A = arith.constant dense<0.000000e+00> : vector<40x64xf32>
    %reduce_sum3A_15 = vector.multi_reduction <add>, %exp3A, %reduce_sum3A [1] : vector<40x56x64xf32> to vector<40x64xf32>
    %broadcast_in_dim3A_16 = vector.shape_cast %reduce_sum3A_15 : vector<40x64xf32> to vector<40x1x64xf32>
    %div3A = arith.constant 1.000000e+00 : f32
    %div3A_17 = vector.broadcast %div3A : f32 to vector<40x1x64xf32>
    %div3A_18 = arith.divf %div3A_17, %broadcast_in_dim3A_16 : vector<40x1x64xf32>
    %mul3A_19 = vector.broadcast %div3A_18 : vector<40x1x64xf32> to vector<40x56x64xf32>
    %mul3A_20 = arith.mulf %exp3A, %mul3A_19 : vector<40x56x64xf32>
    %mul3A_21 = arith.mulf %mul3A_20, %reshape3A : vector<40x56x64xf32>
    %reduce_sum3A_22 = arith.constant dense<0.000000e+00> : vector<40x64xf32>
    %reduce_sum3A_23 = vector.multi_reduction <add>, %mul3A_21, %reduce_sum3A_22 [1] : vector<40x56x64xf32> to vector<40x64xf32>
    %reshape3A_24 = vector.shape_cast %get3A_4 : vector<2240x512xf32> to vector<40x56x512xf32>
    %slice3A = vector.extract_strided_slice %mul3A_20 {offsets = [0, 0, 0], sizes = [1, 56, 64], strides = [1, 1, 1]} : vector<40x56x64xf32> to vector<1x56x64xf32>
    %squeeze3A = vector.shape_cast %slice3A : vector<1x56x64xf32> to vector<56x64xf32>
    %slice3A_25 = vector.extract_strided_slice %reshape3A_24 {offsets = [0, 0, 0], sizes = [1, 56, 512], strides = [1, 1, 1]} : vector<40x56x512xf32> to vector<1x56x512xf32>
    %squeeze3A_26 = vector.shape_cast %slice3A_25 : vector<1x56x512xf32> to vector<56x512xf32>
    %dot_general3A_27 = arith.constant dense<0.000000e+00> : vector<64x512xf32>
    %dot_general3A_28 = tpu.matmul %squeeze3A, %squeeze3A_26, %dot_general3A_27 {dimension_numbers = #tpu.dot_dimension_numbers<[0], [0], [1], [1], [0, 1, 1, 1], [], []>, transpose_lhs_hint = false} : vector<56x64xf32>, vector<56x512xf32>, vector<64x512xf32> -> vector<64x512xf32>
    %mul3A_29 = arith.mulf %dot_general3A_28, %dot_general3A_28 : vector<64x512xf32>
    %reduce_sum3A_30 = arith.constant dense<0.000000e+00> : vector<64xf32>
    %reduce_sum3A_31 = vector.multi_reduction <add>, %mul3A_29, %reduce_sum3A_30 [1] : vector<64x512xf32> to vector<64xf32>
    %sqrt3A = math.sqrt %reduce_sum3A_31 : vector<64xf32>
    %slice3A_32 = vector.extract_strided_slice %reduce_sum3A_23 {offsets = [0, 0], sizes = [1, 64], strides = [1, 1]} : vector<40x64xf32> to vector<1x64xf32>
    %squeeze3A_33 = vector.shape_cast %slice3A_32 : vector<1x64xf32> to vector<64xf32>
    %mul3A_34 = arith.constant 1.000000e+02 : f32
    %mul3A_35 = vector.broadcast %mul3A_34 : f32 to vector<64xf32>
    %mul3A_36 = arith.mulf %mul3A_35, %squeeze3A_33 : vector<64xf32>
    %add3A = arith.constant 9.99999993E-9 : f32
    %add3A_37 = vector.broadcast %add3A : f32 to vector<64xf32>
    %add3A_38 = arith.addf %sqrt3A, %add3A_37 : vector<64xf32>
    %div3A_39 = arith.divf %mul3A_36, %add3A_38 : vector<64xf32>
    %broadcast_in_dim3A_40 = vector.shape_cast %div3A_39 : vector<64xf32> to vector<1x64xf32>
    %slice3A_41 = vector.extract_strided_slice %mul3A_20 {offsets = [1, 0, 0], sizes = [1, 56, 64], strides = [1, 1, 1]} : vector<40x56x64xf32> to vector<1x56x64xf32>
    %squeeze3A_42 = vector.shape_cast %slice3A_41 : vector<1x56x64xf32> to vector<56x64xf32>
    %slice3A_43 = vector.extract_strided_slice %reshape3A_24 {offsets = [1, 0, 0], sizes = [1, 56, 512], strides = [1, 1, 1]} : vector<40x56x512xf32> to vector<1x56x512xf32>
    %squeeze3A_44 = vector.shape_cast %slice3A_43 : vector<1x56x512xf32> to vector<56x512xf32>
    %dot_general3A_45 = arith.constant dense<0.000000e+00> : vector<64x512xf32>
    %dot_general3A_46 = tpu.matmul %squeeze3A_42, %squeeze3A_44, %dot_general3A_45 {dimension_numbers = #tpu.dot_dimension_numbers<[0], [0], [1], [1], [0, 1, 1, 1], [], []>, transpose_lhs_hint = false} : vector<56x64xf32>, vector<56x512xf32>, vector<64x512xf32> -> vector<64x512xf32>
    %mul3A_47 = arith.mulf %dot_general3A_46, %dot_general3A_46 : vector<64x512xf32>
    %reduce_sum3A_48 = arith.constant dense<0.000000e+00> : vector<64xf32>
    %reduce_sum3A_49 = vector.multi_reduction <add>, %mul3A_47, %reduce_sum3A_48 [1] : vector<64x512xf32> to vector<64xf32>
    %sqrt3A_50 = math.sqrt %reduce_sum3A_49 : vector<64xf32>
    %slice3A_51 = vector.extract_strided_slice %reduce_sum3A_23 {offsets = [1, 0], sizes = [1, 64], strides = [1, 1]} : vector<40x64xf32> to vector<1x64xf32>
    %squeeze3A_52 = vector.shape_cast %slice3A_51 : vector<1x64xf32> to vector<64xf32>
    %mul3A_53 = arith.constant 1.000000e+02 : f32
    %mul3A_54 = vector.broadcast %mul3A_53 : f32 to vector<64xf32>
    %mul3A_55 = arith.mulf %mul3A_54, %squeeze3A_52 : vector<64xf32>
    %add3A_56 = arith.constant 9.99999993E-9 : f32
    %add3A_57 = vector.broadcast %add3A_56 : f32 to vector<64xf32>
    %add3A_58 = arith.addf %sqrt3A_50, %add3A_57 : vector<64xf32>
    %div3A_59 = arith.divf %mul3A_55, %add3A_58 : vector<64xf32>
    %broadcast_in_dim3A_60 = vector.shape_cast %div3A_59 : vector<64xf32> to vector<1x64xf32>
    %slice3A_61 = vector.extract_strided_slice %mul3A_20 {offsets = [2, 0, 0], sizes = [1, 56, 64], strides = [1, 1, 1]} : vector<40x56x64xf32> to vector<1x56x64xf32>
    %squeeze3A_62 = vector.shape_cast %slice3A_61 : vector<1x56x64xf32> to vector<56x64xf32>
    %slice3A_63 = vector.extract_strided_slice %reshape3A_24 {offsets = [2, 0, 0], sizes = [1, 56, 512], strides = [1, 1, 1]} : vector<40x56x512xf32> to vector<1x56x512xf32>
    %squeeze3A_64 = vector.shape_cast %slice3A_63 : vector<1x56x512xf32> to vector<56x512xf32>
    %dot_general3A_65 = arith.constant dense<0.000000e+00> : vector<64x512xf32>
    %dot_general3A_66 = tpu.matmul %squeeze3A_62, %squeeze3A_64, %dot_general3A_65 {dimension_numbers = #tpu.dot_dimension_numbers<[0], [0], [1], [1], [0, 1, 1, 1], [], []>, transpose_lhs_hint = false} : vector<56x64xf32>, vector<56x512xf32>, vector<64x512xf32> -> vector<64x512xf32>
    %mul3A_67 = arith.mulf %dot_general3A_66, %dot_general3A_66 : vector<64x512xf32>
    %reduce_sum3A_68 = arith.constant dense<0.000000e+00> : vector<64xf32>
    %reduce_sum3A_69 = vector.multi_reduction <add>, %mul3A_67, %reduce_sum3A_68 [1] : vector<64x512xf32> to vector<64xf32>
    %sqrt3A_70 = math.sqrt %reduce_sum3A_69 : vector<64xf32>
    %slice3A_71 = vector.extract_strided_slice %reduce_sum3A_23 {offsets = [2, 0], sizes = [1, 64], strides = [1, 1]} : vector<40x64xf32> to vector<1x64xf32>
    %squeeze3A_72 = vector.shape_cast %slice3A_71 : vector<1x64xf32> to vector<64xf32>
    %mul3A_73 = arith.constant 1.000000e+02 : f32
    %mul3A_74 = vector.broadcast %mul3A_73 : f32 to vector<64xf32>
    %mul3A_75 = arith.mulf %mul3A_74, %squeeze3A_72 : vector<64xf32>
    %add3A_76 = arith.constant 9.99999993E-9 : f32
    %add3A_77 = vector.broadcast %add3A_76 : f32 to vector<64xf32>
    %add3A_78 = arith.addf %sqrt3A_70, %add3A_77 : vector<64xf32>
    %div3A_79 = arith.divf %mul3A_75, %add3A_78 : vector<64xf32>
    %broadcast_in_dim3A_80 = vector.shape_cast %div3A_79 : vector<64xf32> to vector<1x64xf32>
    %slice3A_81 = vector.extract_strided_slice %mul3A_20 {offsets = [3, 0, 0], sizes = [1, 56, 64], strides = [1, 1, 1]} : vector<40x56x64xf32> to vector<1x56x64xf32>
    %squeeze3A_82 = vector.shape_cast %slice3A_81 : vector<1x56x64xf32> to vector<56x64xf32>
    %slice3A_83 = vector.extract_strided_slice %reshape3A_24 {offsets = [3, 0, 0], sizes = [1, 56, 512], strides = [1, 1, 1]} : vector<40x56x512xf32> to vector<1x56x512xf32>
    %squeeze3A_84 = vector.shape_cast %slice3A_83 : vector<1x56x512xf32> to vector<56x512xf32>
    %dot_general3A_85 = arith.constant dense<0.000000e+00> : vector<64x512xf32>
    %dot_general3A_86 = tpu.matmul %squeeze3A_82, %squeeze3A_84, %dot_general3A_85 {dimension_numbers = #tpu.dot_dimension_numbers<[0], [0], [1], [1], [0, 1, 1, 1], [], []>, transpose_lhs_hint = false} : vector<56x64xf32>, vector<56x512xf32>, vector<64x512xf32> -> vector<64x512xf32>
    %mul3A_87 = arith.mulf %dot_general3A_86, %dot_general3A_86 : vector<64x512xf32>
    %reduce_sum3A_88 = arith.constant dense<0.000000e+00> : vector<64xf32>
    %reduce_sum3A_89 = vector.multi_reduction <add>, %mul3A_87, %reduce_sum3A_88 [1] : vector<64x512xf32> to vector<64xf32>
    %sqrt3A_90 = math.sqrt %reduce_sum3A_89 : vector<64xf32>
    %slice3A_91 = vector.extract_strided_slice %reduce_sum3A_23 {offsets = [3, 0], sizes = [1, 64], strides = [1, 1]} : vector<40x64xf32> to vector<1x64xf32>
    %squeeze3A_92 = vector.shape_cast %slice3A_91 : vector<1x64xf32> to vector<64xf32>
    %mul3A_93 = arith.constant 1.000000e+02 : f32
    %mul3A_94 = vector.broadcast %mul3A_93 : f32 to vector<64xf32>
    %mul3A_95 = arith.mulf %mul3A_94, %squeeze3A_92 : vector<64xf32>
    %add3A_96 = arith.constant 9.99999993E-9 : f32
    %add3A_97 = vector.broadcast %add3A_96 : f32 to vector<64xf32>
    %add3A_98 = arith.addf %sqrt3A_90, %add3A_97 : vector<64xf32>
    %div3A_99 = arith.divf %mul3A_95, %add3A_98 : vector<64xf32>
    %broadcast_in_dim3A_100 = vector.shape_cast %div3A_99 : vector<64xf32> to vector<1x64xf32>
    %slice3A_101 = vector.extract_strided_slice %mul3A_20 {offsets = [4, 0, 0], sizes = [1, 56, 64], strides = [1, 1, 1]} : vector<40x56x64xf32> to vector<1x56x64xf32>
    %squeeze3A_102 = vector.shape_cast %slice3A_101 : vector<1x56x64xf32> to vector<56x64xf32>
    %slice3A_103 = vector.extract_strided_slice %reshape3A_24 {offsets = [4, 0, 0], sizes = [1, 56, 512], strides = [1, 1, 1]} : vector<40x56x512xf32> to vector<1x56x512xf32>
    %squeeze3A_104 = vector.shape_cast %slice3A_103 : vector<1x56x512xf32> to vector<56x512xf32>
    %dot_general3A_105 = arith.constant dense<0.000000e+00> : vector<64x512xf32>
    %dot_general3A_106 = tpu.matmul %squeeze3A_102, %squeeze3A_104, %dot_general3A_105 {dimension_numbers = #tpu.dot_dimension_numbers<[0], [0], [1], [1], [0, 1, 1, 1], [], []>, transpose_lhs_hint = false} : vector<56x64xf32>, vector<56x512xf32>, vector<64x512xf32> -> vector<64x512xf32>
    %mul3A_107 = arith.mulf %dot_general3A_106, %dot_general3A_106 : vector<64x512xf32>
    %reduce_sum3A_108 = arith.constant dense<0.000000e+00> : vector<64xf32>
    %reduce_sum3A_109 = vector.multi_reduction <add>, %mul3A_107, %reduce_sum3A_108 [1] : vector<64x512xf32> to vector<64xf32>
    %sqrt3A_110 = math.sqrt %reduce_sum3A_109 : vector<64xf32>
    %slice3A_111 = vector.extract_strided_slice %reduce_sum3A_23 {offsets = [4, 0], sizes = [1, 64], strides = [1, 1]} : vector<40x64xf32> to vector<1x64xf32>
    %squeeze3A_112 = vector.shape_cast %slice3A_111 : vector<1x64xf32> to vector<64xf32>
    %mul3A_113 = arith.constant 1.000000e+02 : f32
    %mul3A_114 = vector.broadcast %mul3A_113 : f32 to vector<64xf32>
    %mul3A_115 = arith.mulf %mul3A_114, %squeeze3A_112 : vector<64xf32>
    %add3A_116 = arith.constant 9.99999993E-9 : f32
    %add3A_117 = vector.broadcast %add3A_116 : f32 to vector<64xf32>
    %add3A_118 = arith.addf %sqrt3A_110, %add3A_117 : vector<64xf32>
    %div3A_119 = arith.divf %mul3A_115, %add3A_118 : vector<64xf32>
    %broadcast_in_dim3A_120 = vector.shape_cast %div3A_119 : vector<64xf32> to vector<1x64xf32>
    %slice3A_121 = vector.extract_strided_slice %mul3A_20 {offsets = [5, 0, 0], sizes = [1, 56, 64], strides = [1, 1, 1]} : vector<40x56x64xf32> to vector<1x56x64xf32>
    %squeeze3A_122 = vector.shape_cast %slice3A_121 : vector<1x56x64xf32> to vector<56x64xf32>
    %slice3A_123 = vector.extract_strided_slice %reshape3A_24 {offsets = [5, 0, 0], sizes = [1, 56, 512], strides = [1, 1, 1]} : vector<40x56x512xf32> to vector<1x56x512xf32>
    %squeeze3A_124 = vector.shape_cast %slice3A_123 : vector<1x56x512xf32> to vector<56x512xf32>
    %dot_general3A_125 = arith.constant dense<0.000000e+00> : vector<64x512xf32>
    %dot_general3A_126 = tpu.matmul %squeeze3A_122, %squeeze3A_124, %dot_general3A_125 {dimension_numbers = #tpu.dot_dimension_numbers<[0], [0], [1], [1], [0, 1, 1, 1], [], []>, transpose_lhs_hint = false} : vector<56x64xf32>, vector<56x512xf32>, vector<64x512xf32> -> vector<64x512xf32>
    %mul3A_127 = arith.mulf %dot_general3A_126, %dot_general3A_126 : vector<64x512xf32>
    %reduce_sum3A_128 = arith.constant dense<0.000000e+00> : vector<64xf32>
    %reduce_sum3A_129 = vector.multi_reduction <add>, %mul3A_127, %reduce_sum3A_128 [1] : vector<64x512xf32> to vector<64xf32>
    %sqrt3A_130 = math.sqrt %reduce_sum3A_129 : vector<64xf32>
    %slice3A_131 = vector.extract_strided_slice %reduce_sum3A_23 {offsets = [5, 0], sizes = [1, 64], strides = [1, 1]} : vector<40x64xf32> to vector<1x64xf32>
    %squeeze3A_132 = vector.shape_cast %slice3A_131 : vector<1x64xf32> to vector<64xf32>
    %mul3A_133 = arith.constant 1.000000e+02 : f32
    %mul3A_134 = vector.broadcast %mul3A_133 : f32 to vector<64xf32>
    %mul3A_135 = arith.mulf %mul3A_134, %squeeze3A_132 : vector<64xf32>
    %add3A_136 = arith.constant 9.99999993E-9 : f32
    %add3A_137 = vector.broadcast %add3A_136 : f32 to vector<64xf32>
    %add3A_138 = arith.addf %sqrt3A_130, %add3A_137 : vector<64xf32>
    %div3A_139 = arith.divf %mul3A_135, %add3A_138 : vector<64xf32>
    %broadcast_in_dim3A_140 = vector.shape_cast %div3A_139 : vector<64xf32> to vector<1x64xf32>
    %slice3A_141 = vector.extract_strided_slice %mul3A_20 {offsets = [6, 0, 0], sizes = [1, 56, 64], strides = [1, 1, 1]} : vector<40x56x64xf32> to vector<1x56x64xf32>
    %squeeze3A_142 = vector.shape_cast %slice3A_141 : vector<1x56x64xf32> to vector<56x64xf32>
    %slice3A_143 = vector.extract_strided_slice %reshape3A_24 {offsets = [6, 0, 0], sizes = [1, 56, 512], strides = [1, 1, 1]} : vector<40x56x512xf32> to vector<1x56x512xf32>
    %squeeze3A_144 = vector.shape_cast %slice3A_143 : vector<1x56x512xf32> to vector<56x512xf32>
    %dot_general3A_145 = arith.constant dense<0.000000e+00> : vector<64x512xf32>
    %dot_general3A_146 = tpu.matmul %squeeze3A_142, %squeeze3A_144, %dot_general3A_145 {dimension_numbers = #tpu.dot_dimension_numbers<[0], [0], [1], [1], [0, 1, 1, 1], [], []>, transpose_lhs_hint = false} : vector<56x64xf32>, vector<56x512xf32>, vector<64x512xf32> -> vector<64x512xf32>
    %mul3A_147 = arith.mulf %dot_general3A_146, %dot_general3A_146 : vector<64x512xf32>
    %reduce_sum3A_148 = arith.constant dense<0.000000e+00> : vector<64xf32>
    %reduce_sum3A_149 = vector.multi_reduction <add>, %mul3A_147, %reduce_sum3A_148 [1] : vector<64x512xf32> to vector<64xf32>
    %sqrt3A_150 = math.sqrt %reduce_sum3A_149 : vector<64xf32>
    %slice3A_151 = vector.extract_strided_slice %reduce_sum3A_23 {offsets = [6, 0], sizes = [1, 64], strides = [1, 1]} : vector<40x64xf32> to vector<1x64xf32>
    %squeeze3A_152 = vector.shape_cast %slice3A_151 : vector<1x64xf32> to vector<64xf32>
    %mul3A_153 = arith.constant 1.000000e+02 : f32
    %mul3A_154 = vector.broadcast %mul3A_153 : f32 to vector<64xf32>
    %mul3A_155 = arith.mulf %mul3A_154, %squeeze3A_152 : vector<64xf32>
    %add3A_156 = arith.constant 9.99999993E-9 : f32
    %add3A_157 = vector.broadcast %add3A_156 : f32 to vector<64xf32>
    %add3A_158 = arith.addf %sqrt3A_150, %add3A_157 : vector<64xf32>
    %div3A_159 = arith.divf %mul3A_155, %add3A_158 : vector<64xf32>
    %broadcast_in_dim3A_160 = vector.shape_cast %div3A_159 : vector<64xf32> to vector<1x64xf32>
    %slice3A_161 = vector.extract_strided_slice %mul3A_20 {offsets = [7, 0, 0], sizes = [1, 56, 64], strides = [1, 1, 1]} : vector<40x56x64xf32> to vector<1x56x64xf32>
    %squeeze3A_162 = vector.shape_cast %slice3A_161 : vector<1x56x64xf32> to vector<56x64xf32>
    %slice3A_163 = vector.extract_strided_slice %reshape3A_24 {offsets = [7, 0, 0], sizes = [1, 56, 512], strides = [1, 1, 1]} : vector<40x56x512xf32> to vector<1x56x512xf32>
    %squeeze3A_164 = vector.shape_cast %slice3A_163 : vector<1x56x512xf32> to vector<56x512xf32>
    %dot_general3A_165 = arith.constant dense<0.000000e+00> : vector<64x512xf32>
    %dot_general3A_166 = tpu.matmul %squeeze3A_162, %squeeze3A_164, %dot_general3A_165 {dimension_numbers = #tpu.dot_dimension_numbers<[0], [0], [1], [1], [0, 1, 1, 1], [], []>, transpose_lhs_hint = false} : vector<56x64xf32>, vector<56x512xf32>, vector<64x512xf32> -> vector<64x512xf32>
    %mul3A_167 = arith.mulf %dot_general3A_166, %dot_general3A_166 : vector<64x512xf32>
    %reduce_sum3A_168 = arith.constant dense<0.000000e+00> : vector<64xf32>
    %reduce_sum3A_169 = vector.multi_reduction <add>, %mul3A_167, %reduce_sum3A_168 [1] : vector<64x512xf32> to vector<64xf32>
    %sqrt3A_170 = math.sqrt %reduce_sum3A_169 : vector<64xf32>
    %slice3A_171 = vector.extract_strided_slice %reduce_sum3A_23 {offsets = [7, 0], sizes = [1, 64], strides = [1, 1]} : vector<40x64xf32> to vector<1x64xf32>
    %squeeze3A_172 = vector.shape_cast %slice3A_171 : vector<1x64xf32> to vector<64xf32>
    %mul3A_173 = arith.constant 1.000000e+02 : f32
    %mul3A_174 = vector.broadcast %mul3A_173 : f32 to vector<64xf32>
    %mul3A_175 = arith.mulf %mul3A_174, %squeeze3A_172 : vector<64xf32>
    %add3A_176 = arith.constant 9.99999993E-9 : f32
    %add3A_177 = vector.broadcast %add3A_176 : f32 to vector<64xf32>
    %add3A_178 = arith.addf %sqrt3A_170, %add3A_177 : vector<64xf32>
    %div3A_179 = arith.divf %mul3A_175, %add3A_178 : vector<64xf32>
    %broadcast_in_dim3A_180 = vector.shape_cast %div3A_179 : vector<64xf32> to vector<1x64xf32>
    %slice3A_181 = vector.extract_strided_slice %mul3A_20 {offsets = [8, 0, 0], sizes = [1, 56, 64], strides = [1, 1, 1]} : vector<40x56x64xf32> to vector<1x56x64xf32>
    %squeeze3A_182 = vector.shape_cast %slice3A_181 : vector<1x56x64xf32> to vector<56x64xf32>
    %slice3A_183 = vector.extract_strided_slice %reshape3A_24 {offsets = [8, 0, 0], sizes = [1, 56, 512], strides = [1, 1, 1]} : vector<40x56x512xf32> to vector<1x56x512xf32>
    %squeeze3A_184 = vector.shape_cast %slice3A_183 : vector<1x56x512xf32> to vector<56x512xf32>
    %dot_general3A_185 = arith.constant dense<0.000000e+00> : vector<64x512xf32>
    %dot_general3A_186 = tpu.matmul %squeeze3A_182, %squeeze3A_184, %dot_general3A_185 {dimension_numbers = #tpu.dot_dimension_numbers<[0], [0], [1], [1], [0, 1, 1, 1], [], []>, transpose_lhs_hint = false} : vector<56x64xf32>, vector<56x512xf32>, vector<64x512xf32> -> vector<64x512xf32>
    %mul3A_187 = arith.mulf %dot_general3A_186, %dot_general3A_186 : vector<64x512xf32>
    %reduce_sum3A_188 = arith.constant dense<0.000000e+00> : vector<64xf32>
    %reduce_sum3A_189 = vector.multi_reduction <add>, %mul3A_187, %reduce_sum3A_188 [1] : vector<64x512xf32> to vector<64xf32>
    %sqrt3A_190 = math.sqrt %reduce_sum3A_189 : vector<64xf32>
    %slice3A_191 = vector.extract_strided_slice %reduce_sum3A_23 {offsets = [8, 0], sizes = [1, 64], strides = [1, 1]} : vector<40x64xf32> to vector<1x64xf32>
    %squeeze3A_192 = vector.shape_cast %slice3A_191 : vector<1x64xf32> to vector<64xf32>
    %mul3A_193 = arith.constant 1.000000e+02 : f32
    %mul3A_194 = vector.broadcast %mul3A_193 : f32 to vector<64xf32>
    %mul3A_195 = arith.mulf %mul3A_194, %squeeze3A_192 : vector<64xf32>
    %add3A_196 = arith.constant 9.99999993E-9 : f32
    %add3A_197 = vector.broadcast %add3A_196 : f32 to vector<64xf32>
    %add3A_198 = arith.addf %sqrt3A_190, %add3A_197 : vector<64xf32>
    %div3A_199 = arith.divf %mul3A_195, %add3A_198 : vector<64xf32>
    %broadcast_in_dim3A_200 = vector.shape_cast %div3A_199 : vector<64xf32> to vector<1x64xf32>
    %slice3A_201 = vector.extract_strided_slice %mul3A_20 {offsets = [9, 0, 0], sizes = [1, 56, 64], strides = [1, 1, 1]} : vector<40x56x64xf32> to vector<1x56x64xf32>
    %squeeze3A_202 = vector.shape_cast %slice3A_201 : vector<1x56x64xf32> to vector<56x64xf32>
    %slice3A_203 = vector.extract_strided_slice %reshape3A_24 {offsets = [9, 0, 0], sizes = [1, 56, 512], strides = [1, 1, 1]} : vector<40x56x512xf32> to vector<1x56x512xf32>
    %squeeze3A_204 = vector.shape_cast %slice3A_203 : vector<1x56x512xf32> to vector<56x512xf32>
    %dot_general3A_205 = arith.constant dense<0.000000e+00> : vector<64x512xf32>
    %dot_general3A_206 = tpu.matmul %squeeze3A_202, %squeeze3A_204, %dot_general3A_205 {dimension_numbers = #tpu.dot_dimension_numbers<[0], [0], [1], [1], [0, 1, 1, 1], [], []>, transpose_lhs_hint = false} : vector<56x64xf32>, vector<56x512xf32>, vector<64x512xf32> -> vector<64x512xf32>
    %mul3A_207 = arith.mulf %dot_general3A_206, %dot_general3A_206 : vector<64x512xf32>
    %reduce_sum3A_208 = arith.constant dense<0.000000e+00> : vector<64xf32>
    %reduce_sum3A_209 = vector.multi_reduction <add>, %mul3A_207, %reduce_sum3A_208 [1] : vector<64x512xf32> to vector<64xf32>
    %sqrt3A_210 = math.sqrt %reduce_sum3A_209 : vector<64xf32>
    %slice3A_211 = vector.extract_strided_slice %reduce_sum3A_23 {offsets = [9, 0], sizes = [1, 64], strides = [1, 1]} : vector<40x64xf32> to vector<1x64xf32>
    %squeeze3A_212 = vector.shape_cast %slice3A_211 : vector<1x64xf32> to vector<64xf32>
    %mul3A_213 = arith.constant 1.000000e+02 : f32
    %mul3A_214 = vector.broadcast %mul3A_213 : f32 to vector<64xf32>
    %mul3A_215 = arith.mulf %mul3A_214, %squeeze3A_212 : vector<64xf32>
    %add3A_216 = arith.constant 9.99999993E-9 : f32
    %add3A_217 = vector.broadcast %add3A_216 : f32 to vector<64xf32>
    %add3A_218 = arith.addf %sqrt3A_210, %add3A_217 : vector<64xf32>
    %div3A_219 = arith.divf %mul3A_215, %add3A_218 : vector<64xf32>
    %broadcast_in_dim3A_220 = vector.shape_cast %div3A_219 : vector<64xf32> to vector<1x64xf32>
    %slice3A_221 = vector.extract_strided_slice %mul3A_20 {offsets = [10, 0, 0], sizes = [1, 56, 64], strides = [1, 1, 1]} : vector<40x56x64xf32> to vector<1x56x64xf32>
    %squeeze3A_222 = vector.shape_cast %slice3A_221 : vector<1x56x64xf32> to vector<56x64xf32>
    %slice3A_223 = vector.extract_strided_slice %reshape3A_24 {offsets = [10, 0, 0], sizes = [1, 56, 512], strides = [1, 1, 1]} : vector<40x56x512xf32> to vector<1x56x512xf32>
    %squeeze3A_224 = vector.shape_cast %slice3A_223 : vector<1x56x512xf32> to vector<56x512xf32>
    %dot_general3A_225 = arith.constant dense<0.000000e+00> : vector<64x512xf32>
    %dot_general3A_226 = tpu.matmul %squeeze3A_222, %squeeze3A_224, %dot_general3A_225 {dimension_numbers = #tpu.dot_dimension_numbers<[0], [0], [1], [1], [0, 1, 1, 1], [], []>, transpose_lhs_hint = false} : vector<56x64xf32>, vector<56x512xf32>, vector<64x512xf32> -> vector<64x512xf32>
    %mul3A_227 = arith.mulf %dot_general3A_226, %dot_general3A_226 : vector<64x512xf32>
    %reduce_sum3A_228 = arith.constant dense<0.000000e+00> : vector<64xf32>
    %reduce_sum3A_229 = vector.multi_reduction <add>, %mul3A_227, %reduce_sum3A_228 [1] : vector<64x512xf32> to vector<64xf32>
    %sqrt3A_230 = math.sqrt %reduce_sum3A_229 : vector<64xf32>
    %slice3A_231 = vector.extract_strided_slice %reduce_sum3A_23 {offsets = [10, 0], sizes = [1, 64], strides = [1, 1]} : vector<40x64xf32> to vector<1x64xf32>
    %squeeze3A_232 = vector.shape_cast %slice3A_231 : vector<1x64xf32> to vector<64xf32>
    %mul3A_233 = arith.constant 1.000000e+02 : f32
    %mul3A_234 = vector.broadcast %mul3A_233 : f32 to vector<64xf32>
    %mul3A_235 = arith.mulf %mul3A_234, %squeeze3A_232 : vector<64xf32>
    %add3A_236 = arith.constant 9.99999993E-9 : f32
    %add3A_237 = vector.broadcast %add3A_236 : f32 to vector<64xf32>
    %add3A_238 = arith.addf %sqrt3A_230, %add3A_237 : vector<64xf32>
    %div3A_239 = arith.divf %mul3A_235, %add3A_238 : vector<64xf32>
    %broadcast_in_dim3A_240 = vector.shape_cast %div3A_239 : vector<64xf32> to vector<1x64xf32>
    %slice3A_241 = vector.extract_strided_slice %mul3A_20 {offsets = [11, 0, 0], sizes = [1, 56, 64], strides = [1, 1, 1]} : vector<40x56x64xf32> to vector<1x56x64xf32>
    %squeeze3A_242 = vector.shape_cast %slice3A_241 : vector<1x56x64xf32> to vector<56x64xf32>
    %slice3A_243 = vector.extract_strided_slice %reshape3A_24 {offsets = [11, 0, 0], sizes = [1, 56, 512], strides = [1, 1, 1]} : vector<40x56x512xf32> to vector<1x56x512xf32>
    %squeeze3A_244 = vector.shape_cast %slice3A_243 : vector<1x56x512xf32> to vector<56x512xf32>
    %dot_general3A_245 = arith.constant dense<0.000000e+00> : vector<64x512xf32>
    %dot_general3A_246 = tpu.matmul %squeeze3A_242, %squeeze3A_244, %dot_general3A_245 {dimension_numbers = #tpu.dot_dimension_numbers<[0], [0], [1], [1], [0, 1, 1, 1], [], []>, transpose_lhs_hint = false} : vector<56x64xf32>, vector<56x512xf32>, vector<64x512xf32> -> vector<64x512xf32>
    %mul3A_247 = arith.mulf %dot_general3A_246, %dot_general3A_246 : vector<64x512xf32>
    %reduce_sum3A_248 = arith.constant dense<0.000000e+00> : vector<64xf32>
    %reduce_sum3A_249 = vector.multi_reduction <add>, %mul3A_247, %reduce_sum3A_248 [1] : vector<64x512xf32> to vector<64xf32>
    %sqrt3A_250 = math.sqrt %reduce_sum3A_249 : vector<64xf32>
    %slice3A_251 = vector.extract_strided_slice %reduce_sum3A_23 {offsets = [11, 0], sizes = [1, 64], strides = [1, 1]} : vector<40x64xf32> to vector<1x64xf32>
    %squeeze3A_252 = vector.shape_cast %slice3A_251 : vector<1x64xf32> to vector<64xf32>
    %mul3A_253 = arith.constant 1.000000e+02 : f32
    %mul3A_254 = vector.broadcast %mul3A_253 : f32 to vector<64xf32>
    %mul3A_255 = arith.mulf %mul3A_254, %squeeze3A_252 : vector<64xf32>
    %add3A_256 = arith.constant 9.99999993E-9 : f32
    %add3A_257 = vector.broadcast %add3A_256 : f32 to vector<64xf32>
    %add3A_258 = arith.addf %sqrt3A_250, %add3A_257 : vector<64xf32>
    %div3A_259 = arith.divf %mul3A_255, %add3A_258 : vector<64xf32>
    %broadcast_in_dim3A_260 = vector.shape_cast %div3A_259 : vector<64xf32> to vector<1x64xf32>
    %slice3A_261 = vector.extract_strided_slice %mul3A_20 {offsets = [12, 0, 0], sizes = [1, 56, 64], strides = [1, 1, 1]} : vector<40x56x64xf32> to vector<1x56x64xf32>
    %squeeze3A_262 = vector.shape_cast %slice3A_261 : vector<1x56x64xf32> to vector<56x64xf32>
    %slice3A_263 = vector.extract_strided_slice %reshape3A_24 {offsets = [12, 0, 0], sizes = [1, 56, 512], strides = [1, 1, 1]} : vector<40x56x512xf32> to vector<1x56x512xf32>
    %squeeze3A_264 = vector.shape_cast %slice3A_263 : vector<1x56x512xf32> to vector<56x512xf32>
    %dot_general3A_265 = arith.constant dense<0.000000e+00> : vector<64x512xf32>
    %dot_general3A_266 = tpu.matmul %squeeze3A_262, %squeeze3A_264, %dot_general3A_265 {dimension_numbers = #tpu.dot_dimension_numbers<[0], [0], [1], [1], [0, 1, 1, 1], [], []>, transpose_lhs_hint = false} : vector<56x64xf32>, vector<56x512xf32>, vector<64x512xf32> -> vector<64x512xf32>
    %mul3A_267 = arith.mulf %dot_general3A_266, %dot_general3A_266 : vector<64x512xf32>
    %reduce_sum3A_268 = arith.constant dense<0.000000e+00> : vector<64xf32>
    %reduce_sum3A_269 = vector.multi_reduction <add>, %mul3A_267, %reduce_sum3A_268 [1] : vector<64x512xf32> to vector<64xf32>
    %sqrt3A_270 = math.sqrt %reduce_sum3A_269 : vector<64xf32>
    %slice3A_271 = vector.extract_strided_slice %reduce_sum3A_23 {offsets = [12, 0], sizes = [1, 64], strides = [1, 1]} : vector<40x64xf32> to vector<1x64xf32>
    %squeeze3A_272 = vector.shape_cast %slice3A_271 : vector<1x64xf32> to vector<64xf32>
    %mul3A_273 = arith.constant 1.000000e+02 : f32
    %mul3A_274 = vector.broadcast %mul3A_273 : f32 to vector<64xf32>
    %mul3A_275 = arith.mulf %mul3A_274, %squeeze3A_272 : vector<64xf32>
    %add3A_276 = arith.constant 9.99999993E-9 : f32
    %add3A_277 = vector.broadcast %add3A_276 : f32 to vector<64xf32>
    %add3A_278 = arith.addf %sqrt3A_270, %add3A_277 : vector<64xf32>
    %div3A_279 = arith.divf %mul3A_275, %add3A_278 : vector<64xf32>
    %broadcast_in_dim3A_280 = vector.shape_cast %div3A_279 : vector<64xf32> to vector<1x64xf32>
    %slice3A_281 = vector.extract_strided_slice %mul3A_20 {offsets = [13, 0, 0], sizes = [1, 56, 64], strides = [1, 1, 1]} : vector<40x56x64xf32> to vector<1x56x64xf32>
    %squeeze3A_282 = vector.shape_cast %slice3A_281 : vector<1x56x64xf32> to vector<56x64xf32>
    %slice3A_283 = vector.extract_strided_slice %reshape3A_24 {offsets = [13, 0, 0], sizes = [1, 56, 512], strides = [1, 1, 1]} : vector<40x56x512xf32> to vector<1x56x512xf32>
    %squeeze3A_284 = vector.shape_cast %slice3A_283 : vector<1x56x512xf32> to vector<56x512xf32>
    %dot_general3A_285 = arith.constant dense<0.000000e+00> : vector<64x512xf32>
    %dot_general3A_286 = tpu.matmul %squeeze3A_282, %squeeze3A_284, %dot_general3A_285 {dimension_numbers = #tpu.dot_dimension_numbers<[0], [0], [1], [1], [0, 1, 1, 1], [], []>, transpose_lhs_hint = false} : vector<56x64xf32>, vector<56x512xf32>, vector<64x512xf32> -> vector<64x512xf32>
    %mul3A_287 = arith.mulf %dot_general3A_286, %dot_general3A_286 : vector<64x512xf32>
    %reduce_sum3A_288 = arith.constant dense<0.000000e+00> : vector<64xf32>
    %reduce_sum3A_289 = vector.multi_reduction <add>, %mul3A_287, %reduce_sum3A_288 [1] : vector<64x512xf32> to vector<64xf32>
    %sqrt3A_290 = math.sqrt %reduce_sum3A_289 : vector<64xf32>
    %slice3A_291 = vector.extract_strided_slice %reduce_sum3A_23 {offsets = [13, 0], sizes = [1, 64], strides = [1, 1]} : vector<40x64xf32> to vector<1x64xf32>
    %squeeze3A_292 = vector.shape_cast %slice3A_291 : vector<1x64xf32> to vector<64xf32>
    %mul3A_293 = arith.constant 1.000000e+02 : f32
    %mul3A_294 = vector.broadcast %mul3A_293 : f32 to vector<64xf32>
    %mul3A_295 = arith.mulf %mul3A_294, %squeeze3A_292 : vector<64xf32>
    %add3A_296 = arith.constant 9.99999993E-9 : f32
    %add3A_297 = vector.broadcast %add3A_296 : f32 to vector<64xf32>
    %add3A_298 = arith.addf %sqrt3A_290, %add3A_297 : vector<64xf32>
    %div3A_299 = arith.divf %mul3A_295, %add3A_298 : vector<64xf32>
    %broadcast_in_dim3A_300 = vector.shape_cast %div3A_299 : vector<64xf32> to vector<1x64xf32>
    %slice3A_301 = vector.extract_strided_slice %mul3A_20 {offsets = [14, 0, 0], sizes = [1, 56, 64], strides = [1, 1, 1]} : vector<40x56x64xf32> to vector<1x56x64xf32>
    %squeeze3A_302 = vector.shape_cast %slice3A_301 : vector<1x56x64xf32> to vector<56x64xf32>
    %slice3A_303 = vector.extract_strided_slice %reshape3A_24 {offsets = [14, 0, 0], sizes = [1, 56, 512], strides = [1, 1, 1]} : vector<40x56x512xf32> to vector<1x56x512xf32>
    %squeeze3A_304 = vector.shape_cast %slice3A_303 : vector<1x56x512xf32> to vector<56x512xf32>
    %dot_general3A_305 = arith.constant dense<0.000000e+00> : vector<64x512xf32>
    %dot_general3A_306 = tpu.matmul %squeeze3A_302, %squeeze3A_304, %dot_general3A_305 {dimension_numbers = #tpu.dot_dimension_numbers<[0], [0], [1], [1], [0, 1, 1, 1], [], []>, transpose_lhs_hint = false} : vector<56x64xf32>, vector<56x512xf32>, vector<64x512xf32> -> vector<64x512xf32>
    %mul3A_307 = arith.mulf %dot_general3A_306, %dot_general3A_306 : vector<64x512xf32>
    %reduce_sum3A_308 = arith.constant dense<0.000000e+00> : vector<64xf32>
    %reduce_sum3A_309 = vector.multi_reduction <add>, %mul3A_307, %reduce_sum3A_308 [1] : vector<64x512xf32> to vector<64xf32>
    %sqrt3A_310 = math.sqrt %reduce_sum3A_309 : vector<64xf32>
    %slice3A_311 = vector.extract_strided_slice %reduce_sum3A_23 {offsets = [14, 0], sizes = [1, 64], strides = [1, 1]} : vector<40x64xf32> to vector<1x64xf32>
    %squeeze3A_312 = vector.shape_cast %slice3A_311 : vector<1x64xf32> to vector<64xf32>
    %mul3A_313 = arith.constant 1.000000e+02 : f32
    %mul3A_314 = vector.broadcast %mul3A_313 : f32 to vector<64xf32>
    %mul3A_315 = arith.mulf %mul3A_314, %squeeze3A_312 : vector<64xf32>
    %add3A_316 = arith.constant 9.99999993E-9 : f32
    %add3A_317 = vector.broadcast %add3A_316 : f32 to vector<64xf32>
    %add3A_318 = arith.addf %sqrt3A_310, %add3A_317 : vector<64xf32>
    %div3A_319 = arith.divf %mul3A_315, %add3A_318 : vector<64xf32>
    %broadcast_in_dim3A_320 = vector.shape_cast %div3A_319 : vector<64xf32> to vector<1x64xf32>
    %slice3A_321 = vector.extract_strided_slice %mul3A_20 {offsets = [15, 0, 0], sizes = [1, 56, 64], strides = [1, 1, 1]} : vector<40x56x64xf32> to vector<1x56x64xf32>
    %squeeze3A_322 = vector.shape_cast %slice3A_321 : vector<1x56x64xf32> to vector<56x64xf32>
    %slice3A_323 = vector.extract_strided_slice %reshape3A_24 {offsets = [15, 0, 0], sizes = [1, 56, 512], strides = [1, 1, 1]} : vector<40x56x512xf32> to vector<1x56x512xf32>
    %squeeze3A_324 = vector.shape_cast %slice3A_323 : vector<1x56x512xf32> to vector<56x512xf32>
    %dot_general3A_325 = arith.constant dense<0.000000e+00> : vector<64x512xf32>
    %dot_general3A_326 = tpu.matmul %squeeze3A_322, %squeeze3A_324, %dot_general3A_325 {dimension_numbers = #tpu.dot_dimension_numbers<[0], [0], [1], [1], [0, 1, 1, 1], [], []>, transpose_lhs_hint = false} : vector<56x64xf32>, vector<56x512xf32>, vector<64x512xf32> -> vector<64x512xf32>
    %mul3A_327 = arith.mulf %dot_general3A_326, %dot_general3A_326 : vector<64x512xf32>
    %reduce_sum3A_328 = arith.constant dense<0.000000e+00> : vector<64xf32>
    %reduce_sum3A_329 = vector.multi_reduction <add>, %mul3A_327, %reduce_sum3A_328 [1] : vector<64x512xf32> to vector<64xf32>
    %sqrt3A_330 = math.sqrt %reduce_sum3A_329 : vector<64xf32>
    %slice3A_331 = vector.extract_strided_slice %reduce_sum3A_23 {offsets = [15, 0], sizes = [1, 64], strides = [1, 1]} : vector<40x64xf32> to vector<1x64xf32>
    %squeeze3A_332 = vector.shape_cast %slice3A_331 : vector<1x64xf32> to vector<64xf32>
    %mul3A_333 = arith.constant 1.000000e+02 : f32
    %mul3A_334 = vector.broadcast %mul3A_333 : f32 to vector<64xf32>
    %mul3A_335 = arith.mulf %mul3A_334, %squeeze3A_332 : vector<64xf32>
    %add3A_336 = arith.constant 9.99999993E-9 : f32
    %add3A_337 = vector.broadcast %add3A_336 : f32 to vector<64xf32>
    %add3A_338 = arith.addf %sqrt3A_330, %add3A_337 : vector<64xf32>
    %div3A_339 = arith.divf %mul3A_335, %add3A_338 : vector<64xf32>
    %broadcast_in_dim3A_340 = vector.shape_cast %div3A_339 : vector<64xf32> to vector<1x64xf32>
    %slice3A_341 = vector.extract_strided_slice %mul3A_20 {offsets = [16, 0, 0], sizes = [1, 56, 64], strides = [1, 1, 1]} : vector<40x56x64xf32> to vector<1x56x64xf32>
    %squeeze3A_342 = vector.shape_cast %slice3A_341 : vector<1x56x64xf32> to vector<56x64xf32>
    %slice3A_343 = vector.extract_strided_slice %reshape3A_24 {offsets = [16, 0, 0], sizes = [1, 56, 512], strides = [1, 1, 1]} : vector<40x56x512xf32> to vector<1x56x512xf32>
    %squeeze3A_344 = vector.shape_cast %slice3A_343 : vector<1x56x512xf32> to vector<56x512xf32>
    %dot_general3A_345 = arith.constant dense<0.000000e+00> : vector<64x512xf32>
    %dot_general3A_346 = tpu.matmul %squeeze3A_342, %squeeze3A_344, %dot_general3A_345 {dimension_numbers = #tpu.dot_dimension_numbers<[0], [0], [1], [1], [0, 1, 1, 1], [], []>, transpose_lhs_hint = false} : vector<56x64xf32>, vector<56x512xf32>, vector<64x512xf32> -> vector<64x512xf32>
    %mul3A_347 = arith.mulf %dot_general3A_346, %dot_general3A_346 : vector<64x512xf32>
    %reduce_sum3A_348 = arith.constant dense<0.000000e+00> : vector<64xf32>
    %reduce_sum3A_349 = vector.multi_reduction <add>, %mul3A_347, %reduce_sum3A_348 [1] : vector<64x512xf32> to vector<64xf32>
    %sqrt3A_350 = math.sqrt %reduce_sum3A_349 : vector<64xf32>
    %slice3A_351 = vector.extract_strided_slice %reduce_sum3A_23 {offsets = [16, 0], sizes = [1, 64], strides = [1, 1]} : vector<40x64xf32> to vector<1x64xf32>
    %squeeze3A_352 = vector.shape_cast %slice3A_351 : vector<1x64xf32> to vector<64xf32>
    %mul3A_353 = arith.constant 1.000000e+02 : f32
    %mul3A_354 = vector.broadcast %mul3A_353 : f32 to vector<64xf32>
    %mul3A_355 = arith.mulf %mul3A_354, %squeeze3A_352 : vector<64xf32>
    %add3A_356 = arith.constant 9.99999993E-9 : f32
    %add3A_357 = vector.broadcast %add3A_356 : f32 to vector<64xf32>
    %add3A_358 = arith.addf %sqrt3A_350, %add3A_357 : vector<64xf32>
    %div3A_359 = arith.divf %mul3A_355, %add3A_358 : vector<64xf32>
    %broadcast_in_dim3A_360 = vector.shape_cast %div3A_359 : vector<64xf32> to vector<1x64xf32>
    %slice3A_361 = vector.extract_strided_slice %mul3A_20 {offsets = [17, 0, 0], sizes = [1, 56, 64], strides = [1, 1, 1]} : vector<40x56x64xf32> to vector<1x56x64xf32>
    %squeeze3A_362 = vector.shape_cast %slice3A_361 : vector<1x56x64xf32> to vector<56x64xf32>
    %slice3A_363 = vector.extract_strided_slice %reshape3A_24 {offsets = [17, 0, 0], sizes = [1, 56, 512], strides = [1, 1, 1]} : vector<40x56x512xf32> to vector<1x56x512xf32>
    %squeeze3A_364 = vector.shape_cast %slice3A_363 : vector<1x56x512xf32> to vector<56x512xf32>
    %dot_general3A_365 = arith.constant dense<0.000000e+00> : vector<64x512xf32>
    %dot_general3A_366 = tpu.matmul %squeeze3A_362, %squeeze3A_364, %dot_general3A_365 {dimension_numbers = #tpu.dot_dimension_numbers<[0], [0], [1], [1], [0, 1, 1, 1], [], []>, transpose_lhs_hint = false} : vector<56x64xf32>, vector<56x512xf32>, vector<64x512xf32> -> vector<64x512xf32>
    %mul3A_367 = arith.mulf %dot_general3A_366, %dot_general3A_366 : vector<64x512xf32>
    %reduce_sum3A_368 = arith.constant dense<0.000000e+00> : vector<64xf32>
    %reduce_sum3A_369 = vector.multi_reduction <add>, %mul3A_367, %reduce_sum3A_368 [1] : vector<64x512xf32> to vector<64xf32>
    %sqrt3A_370 = math.sqrt %reduce_sum3A_369 : vector<64xf32>
    %slice3A_371 = vector.extract_strided_slice %reduce_sum3A_23 {offsets = [17, 0], sizes = [1, 64], strides = [1, 1]} : vector<40x64xf32> to vector<1x64xf32>
    %squeeze3A_372 = vector.shape_cast %slice3A_371 : vector<1x64xf32> to vector<64xf32>
    %mul3A_373 = arith.constant 1.000000e+02 : f32
    %mul3A_374 = vector.broadcast %mul3A_373 : f32 to vector<64xf32>
    %mul3A_375 = arith.mulf %mul3A_374, %squeeze3A_372 : vector<64xf32>
    %add3A_376 = arith.constant 9.99999993E-9 : f32
    %add3A_377 = vector.broadcast %add3A_376 : f32 to vector<64xf32>
    %add3A_378 = arith.addf %sqrt3A_370, %add3A_377 : vector<64xf32>
    %div3A_379 = arith.divf %mul3A_375, %add3A_378 : vector<64xf32>
    %broadcast_in_dim3A_380 = vector.shape_cast %div3A_379 : vector<64xf32> to vector<1x64xf32>
    %slice3A_381 = vector.extract_strided_slice %mul3A_20 {offsets = [18, 0, 0], sizes = [1, 56, 64], strides = [1, 1, 1]} : vector<40x56x64xf32> to vector<1x56x64xf32>
    %squeeze3A_382 = vector.shape_cast %slice3A_381 : vector<1x56x64xf32> to vector<56x64xf32>
    %slice3A_383 = vector.extract_strided_slice %reshape3A_24 {offsets = [18, 0, 0], sizes = [1, 56, 512], strides = [1, 1, 1]} : vector<40x56x512xf32> to vector<1x56x512xf32>
    %squeeze3A_384 = vector.shape_cast %slice3A_383 : vector<1x56x512xf32> to vector<56x512xf32>
    %dot_general3A_385 = arith.constant dense<0.000000e+00> : vector<64x512xf32>
    %dot_general3A_386 = tpu.matmul %squeeze3A_382, %squeeze3A_384, %dot_general3A_385 {dimension_numbers = #tpu.dot_dimension_numbers<[0], [0], [1], [1], [0, 1, 1, 1], [], []>, transpose_lhs_hint = false} : vector<56x64xf32>, vector<56x512xf32>, vector<64x512xf32> -> vector<64x512xf32>
    %mul3A_387 = arith.mulf %dot_general3A_386, %dot_general3A_386 : vector<64x512xf32>
    %reduce_sum3A_388 = arith.constant dense<0.000000e+00> : vector<64xf32>
    %reduce_sum3A_389 = vector.multi_reduction <add>, %mul3A_387, %reduce_sum3A_388 [1] : vector<64x512xf32> to vector<64xf32>
    %sqrt3A_390 = math.sqrt %reduce_sum3A_389 : vector<64xf32>
    %slice3A_391 = vector.extract_strided_slice %reduce_sum3A_23 {offsets = [18, 0], sizes = [1, 64], strides = [1, 1]} : vector<40x64xf32> to vector<1x64xf32>
    %squeeze3A_392 = vector.shape_cast %slice3A_391 : vector<1x64xf32> to vector<64xf32>
    %mul3A_393 = arith.constant 1.000000e+02 : f32
    %mul3A_394 = vector.broadcast %mul3A_393 : f32 to vector<64xf32>
    %mul3A_395 = arith.mulf %mul3A_394, %squeeze3A_392 : vector<64xf32>
    %add3A_396 = arith.constant 9.99999993E-9 : f32
    %add3A_397 = vector.broadcast %add3A_396 : f32 to vector<64xf32>
    %add3A_398 = arith.addf %sqrt3A_390, %add3A_397 : vector<64xf32>
    %div3A_399 = arith.divf %mul3A_395, %add3A_398 : vector<64xf32>
    %broadcast_in_dim3A_400 = vector.shape_cast %div3A_399 : vector<64xf32> to vector<1x64xf32>
    %slice3A_401 = vector.extract_strided_slice %mul3A_20 {offsets = [19, 0, 0], sizes = [1, 56, 64], strides = [1, 1, 1]} : vector<40x56x64xf32> to vector<1x56x64xf32>
    %squeeze3A_402 = vector.shape_cast %slice3A_401 : vector<1x56x64xf32> to vector<56x64xf32>
    %slice3A_403 = vector.extract_strided_slice %reshape3A_24 {offsets = [19, 0, 0], sizes = [1, 56, 512], strides = [1, 1, 1]} : vector<40x56x512xf32> to vector<1x56x512xf32>
    %squeeze3A_404 = vector.shape_cast %slice3A_403 : vector<1x56x512xf32> to vector<56x512xf32>
    %dot_general3A_405 = arith.constant dense<0.000000e+00> : vector<64x512xf32>
    %dot_general3A_406 = tpu.matmul %squeeze3A_402, %squeeze3A_404, %dot_general3A_405 {dimension_numbers = #tpu.dot_dimension_numbers<[0], [0], [1], [1], [0, 1, 1, 1], [], []>, transpose_lhs_hint = false} : vector<56x64xf32>, vector<56x512xf32>, vector<64x512xf32> -> vector<64x512xf32>
    %mul3A_407 = arith.mulf %dot_general3A_406, %dot_general3A_406 : vector<64x512xf32>
    %reduce_sum3A_408 = arith.constant dense<0.000000e+00> : vector<64xf32>
    %reduce_sum3A_409 = vector.multi_reduction <add>, %mul3A_407, %reduce_sum3A_408 [1] : vector<64x512xf32> to vector<64xf32>
    %sqrt3A_410 = math.sqrt %reduce_sum3A_409 : vector<64xf32>
    %slice3A_411 = vector.extract_strided_slice %reduce_sum3A_23 {offsets = [19, 0], sizes = [1, 64], strides = [1, 1]} : vector<40x64xf32> to vector<1x64xf32>
    %squeeze3A_412 = vector.shape_cast %slice3A_411 : vector<1x64xf32> to vector<64xf32>
    %mul3A_413 = arith.constant 1.000000e+02 : f32
    %mul3A_414 = vector.broadcast %mul3A_413 : f32 to vector<64xf32>
    %mul3A_415 = arith.mulf %mul3A_414, %squeeze3A_412 : vector<64xf32>
    %add3A_416 = arith.constant 9.99999993E-9 : f32
    %add3A_417 = vector.broadcast %add3A_416 : f32 to vector<64xf32>
    %add3A_418 = arith.addf %sqrt3A_410, %add3A_417 : vector<64xf32>
    %div3A_419 = arith.divf %mul3A_415, %add3A_418 : vector<64xf32>
    %broadcast_in_dim3A_420 = vector.shape_cast %div3A_419 : vector<64xf32> to vector<1x64xf32>
    %slice3A_421 = vector.extract_strided_slice %mul3A_20 {offsets = [20, 0, 0], sizes = [1, 56, 64], strides = [1, 1, 1]} : vector<40x56x64xf32> to vector<1x56x64xf32>
    %squeeze3A_422 = vector.shape_cast %slice3A_421 : vector<1x56x64xf32> to vector<56x64xf32>
    %slice3A_423 = vector.extract_strided_slice %reshape3A_24 {offsets = [20, 0, 0], sizes = [1, 56, 512], strides = [1, 1, 1]} : vector<40x56x512xf32> to vector<1x56x512xf32>
    %squeeze3A_424 = vector.shape_cast %slice3A_423 : vector<1x56x512xf32> to vector<56x512xf32>
    %dot_general3A_425 = arith.constant dense<0.000000e+00> : vector<64x512xf32>
    %dot_general3A_426 = tpu.matmul %squeeze3A_422, %squeeze3A_424, %dot_general3A_425 {dimension_numbers = #tpu.dot_dimension_numbers<[0], [0], [1], [1], [0, 1, 1, 1], [], []>, transpose_lhs_hint = false} : vector<56x64xf32>, vector<56x512xf32>, vector<64x512xf32> -> vector<64x512xf32>
    %mul3A_427 = arith.mulf %dot_general3A_426, %dot_general3A_426 : vector<64x512xf32>
    %reduce_sum3A_428 = arith.constant dense<0.000000e+00> : vector<64xf32>
    %reduce_sum3A_429 = vector.multi_reduction <add>, %mul3A_427, %reduce_sum3A_428 [1] : vector<64x512xf32> to vector<64xf32>
    %sqrt3A_430 = math.sqrt %reduce_sum3A_429 : vector<64xf32>
    %slice3A_431 = vector.extract_strided_slice %reduce_sum3A_23 {offsets = [20, 0], sizes = [1, 64], strides = [1, 1]} : vector<40x64xf32> to vector<1x64xf32>
    %squeeze3A_432 = vector.shape_cast %slice3A_431 : vector<1x64xf32> to vector<64xf32>
    %mul3A_433 = arith.constant 1.000000e+02 : f32
    %mul3A_434 = vector.broadcast %mul3A_433 : f32 to vector<64xf32>
    %mul3A_435 = arith.mulf %mul3A_434, %squeeze3A_432 : vector<64xf32>
    %add3A_436 = arith.constant 9.99999993E-9 : f32
    %add3A_437 = vector.broadcast %add3A_436 : f32 to vector<64xf32>
    %add3A_438 = arith.addf %sqrt3A_430, %add3A_437 : vector<64xf32>
    %div3A_439 = arith.divf %mul3A_435, %add3A_438 : vector<64xf32>
    %broadcast_in_dim3A_440 = vector.shape_cast %div3A_439 : vector<64xf32> to vector<1x64xf32>
    %slice3A_441 = vector.extract_strided_slice %mul3A_20 {offsets = [21, 0, 0], sizes = [1, 56, 64], strides = [1, 1, 1]} : vector<40x56x64xf32> to vector<1x56x64xf32>
    %squeeze3A_442 = vector.shape_cast %slice3A_441 : vector<1x56x64xf32> to vector<56x64xf32>
    %slice3A_443 = vector.extract_strided_slice %reshape3A_24 {offsets = [21, 0, 0], sizes = [1, 56, 512], strides = [1, 1, 1]} : vector<40x56x512xf32> to vector<1x56x512xf32>
    %squeeze3A_444 = vector.shape_cast %slice3A_443 : vector<1x56x512xf32> to vector<56x512xf32>
    %dot_general3A_445 = arith.constant dense<0.000000e+00> : vector<64x512xf32>
    %dot_general3A_446 = tpu.matmul %squeeze3A_442, %squeeze3A_444, %dot_general3A_445 {dimension_numbers = #tpu.dot_dimension_numbers<[0], [0], [1], [1], [0, 1, 1, 1], [], []>, transpose_lhs_hint = false} : vector<56x64xf32>, vector<56x512xf32>, vector<64x512xf32> -> vector<64x512xf32>
    %mul3A_447 = arith.mulf %dot_general3A_446, %dot_general3A_446 : vector<64x512xf32>
    %reduce_sum3A_448 = arith.constant dense<0.000000e+00> : vector<64xf32>
    %reduce_sum3A_449 = vector.multi_reduction <add>, %mul3A_447, %reduce_sum3A_448 [1] : vector<64x512xf32> to vector<64xf32>
    %sqrt3A_450 = math.sqrt %reduce_sum3A_449 : vector<64xf32>
    %slice3A_451 = vector.extract_strided_slice %reduce_sum3A_23 {offsets = [21, 0], sizes = [1, 64], strides = [1, 1]} : vector<40x64xf32> to vector<1x64xf32>
    %squeeze3A_452 = vector.shape_cast %slice3A_451 : vector<1x64xf32> to vector<64xf32>
    %mul3A_453 = arith.constant 1.000000e+02 : f32
    %mul3A_454 = vector.broadcast %mul3A_453 : f32 to vector<64xf32>
    %mul3A_455 = arith.mulf %mul3A_454, %squeeze3A_452 : vector<64xf32>
    %add3A_456 = arith.constant 9.99999993E-9 : f32
    %add3A_457 = vector.broadcast %add3A_456 : f32 to vector<64xf32>
    %add3A_458 = arith.addf %sqrt3A_450, %add3A_457 : vector<64xf32>
    %div3A_459 = arith.divf %mul3A_455, %add3A_458 : vector<64xf32>
    %broadcast_in_dim3A_460 = vector.shape_cast %div3A_459 : vector<64xf32> to vector<1x64xf32>
    %slice3A_461 = vector.extract_strided_slice %mul3A_20 {offsets = [22, 0, 0], sizes = [1, 56, 64], strides = [1, 1, 1]} : vector<40x56x64xf32> to vector<1x56x64xf32>
    %squeeze3A_462 = vector.shape_cast %slice3A_461 : vector<1x56x64xf32> to vector<56x64xf32>
    %slice3A_463 = vector.extract_strided_slice %reshape3A_24 {offsets = [22, 0, 0], sizes = [1, 56, 512], strides = [1, 1, 1]} : vector<40x56x512xf32> to vector<1x56x512xf32>
    %squeeze3A_464 = vector.shape_cast %slice3A_463 : vector<1x56x512xf32> to vector<56x512xf32>
    %dot_general3A_465 = arith.constant dense<0.000000e+00> : vector<64x512xf32>
    %dot_general3A_466 = tpu.matmul %squeeze3A_462, %squeeze3A_464, %dot_general3A_465 {dimension_numbers = #tpu.dot_dimension_numbers<[0], [0], [1], [1], [0, 1, 1, 1], [], []>, transpose_lhs_hint = false} : vector<56x64xf32>, vector<56x512xf32>, vector<64x512xf32> -> vector<64x512xf32>
    %mul3A_467 = arith.mulf %dot_general3A_466, %dot_general3A_466 : vector<64x512xf32>
    %reduce_sum3A_468 = arith.constant dense<0.000000e+00> : vector<64xf32>
    %reduce_sum3A_469 = vector.multi_reduction <add>, %mul3A_467, %reduce_sum3A_468 [1] : vector<64x512xf32> to vector<64xf32>
    %sqrt3A_470 = math.sqrt %reduce_sum3A_469 : vector<64xf32>
    %slice3A_471 = vector.extract_strided_slice %reduce_sum3A_23 {offsets = [22, 0], sizes = [1, 64], strides = [1, 1]} : vector<40x64xf32> to vector<1x64xf32>
    %squeeze3A_472 = vector.shape_cast %slice3A_471 : vector<1x64xf32> to vector<64xf32>
    %mul3A_473 = arith.constant 1.000000e+02 : f32
    %mul3A_474 = vector.broadcast %mul3A_473 : f32 to vector<64xf32>
    %mul3A_475 = arith.mulf %mul3A_474, %squeeze3A_472 : vector<64xf32>
    %add3A_476 = arith.constant 9.99999993E-9 : f32
    %add3A_477 = vector.broadcast %add3A_476 : f32 to vector<64xf32>
    %add3A_478 = arith.addf %sqrt3A_470, %add3A_477 : vector<64xf32>
    %div3A_479 = arith.divf %mul3A_475, %add3A_478 : vector<64xf32>
    %broadcast_in_dim3A_480 = vector.shape_cast %div3A_479 : vector<64xf32> to vector<1x64xf32>
    %slice3A_481 = vector.extract_strided_slice %mul3A_20 {offsets = [23, 0, 0], sizes = [1, 56, 64], strides = [1, 1, 1]} : vector<40x56x64xf32> to vector<1x56x64xf32>
    %squeeze3A_482 = vector.shape_cast %slice3A_481 : vector<1x56x64xf32> to vector<56x64xf32>
    %slice3A_483 = vector.extract_strided_slice %reshape3A_24 {offsets = [23, 0, 0], sizes = [1, 56, 512], strides = [1, 1, 1]} : vector<40x56x512xf32> to vector<1x56x512xf32>
    %squeeze3A_484 = vector.shape_cast %slice3A_483 : vector<1x56x512xf32> to vector<56x512xf32>
    %dot_general3A_485 = arith.constant dense<0.000000e+00> : vector<64x512xf32>
    %dot_general3A_486 = tpu.matmul %squeeze3A_482, %squeeze3A_484, %dot_general3A_485 {dimension_numbers = #tpu.dot_dimension_numbers<[0], [0], [1], [1], [0, 1, 1, 1], [], []>, transpose_lhs_hint = false} : vector<56x64xf32>, vector<56x512xf32>, vector<64x512xf32> -> vector<64x512xf32>
    %mul3A_487 = arith.mulf %dot_general3A_486, %dot_general3A_486 : vector<64x512xf32>
    %reduce_sum3A_488 = arith.constant dense<0.000000e+00> : vector<64xf32>
    %reduce_sum3A_489 = vector.multi_reduction <add>, %mul3A_487, %reduce_sum3A_488 [1] : vector<64x512xf32> to vector<64xf32>
    %sqrt3A_490 = math.sqrt %reduce_sum3A_489 : vector<64xf32>
    %slice3A_491 = vector.extract_strided_slice %reduce_sum3A_23 {offsets = [23, 0], sizes = [1, 64], strides = [1, 1]} : vector<40x64xf32> to vector<1x64xf32>
    %squeeze3A_492 = vector.shape_cast %slice3A_491 : vector<1x64xf32> to vector<64xf32>
    %mul3A_493 = arith.constant 1.000000e+02 : f32
    %mul3A_494 = vector.broadcast %mul3A_493 : f32 to vector<64xf32>
    %mul3A_495 = arith.mulf %mul3A_494, %squeeze3A_492 : vector<64xf32>
    %add3A_496 = arith.constant 9.99999993E-9 : f32
    %add3A_497 = vector.broadcast %add3A_496 : f32 to vector<64xf32>
    %add3A_498 = arith.addf %sqrt3A_490, %add3A_497 : vector<64xf32>
    %div3A_499 = arith.divf %mul3A_495, %add3A_498 : vector<64xf32>
    %broadcast_in_dim3A_500 = vector.shape_cast %div3A_499 : vector<64xf32> to vector<1x64xf32>
    %slice3A_501 = vector.extract_strided_slice %mul3A_20 {offsets = [24, 0, 0], sizes = [1, 56, 64], strides = [1, 1, 1]} : vector<40x56x64xf32> to vector<1x56x64xf32>
    %squeeze3A_502 = vector.shape_cast %slice3A_501 : vector<1x56x64xf32> to vector<56x64xf32>
    %slice3A_503 = vector.extract_strided_slice %reshape3A_24 {offsets = [24, 0, 0], sizes = [1, 56, 512], strides = [1, 1, 1]} : vector<40x56x512xf32> to vector<1x56x512xf32>
    %squeeze3A_504 = vector.shape_cast %slice3A_503 : vector<1x56x512xf32> to vector<56x512xf32>
    %dot_general3A_505 = arith.constant dense<0.000000e+00> : vector<64x512xf32>
    %dot_general3A_506 = tpu.matmul %squeeze3A_502, %squeeze3A_504, %dot_general3A_505 {dimension_numbers = #tpu.dot_dimension_numbers<[0], [0], [1], [1], [0, 1, 1, 1], [], []>, transpose_lhs_hint = false} : vector<56x64xf32>, vector<56x512xf32>, vector<64x512xf32> -> vector<64x512xf32>
    %mul3A_507 = arith.mulf %dot_general3A_506, %dot_general3A_506 : vector<64x512xf32>
    %reduce_sum3A_508 = arith.constant dense<0.000000e+00> : vector<64xf32>
    %reduce_sum3A_509 = vector.multi_reduction <add>, %mul3A_507, %reduce_sum3A_508 [1] : vector<64x512xf32> to vector<64xf32>
    %sqrt3A_510 = math.sqrt %reduce_sum3A_509 : vector<64xf32>
    %slice3A_511 = vector.extract_strided_slice %reduce_sum3A_23 {offsets = [24, 0], sizes = [1, 64], strides = [1, 1]} : vector<40x64xf32> to vector<1x64xf32>
    %squeeze3A_512 = vector.shape_cast %slice3A_511 : vector<1x64xf32> to vector<64xf32>
    %mul3A_513 = arith.constant 1.000000e+02 : f32
    %mul3A_514 = vector.broadcast %mul3A_513 : f32 to vector<64xf32>
    %mul3A_515 = arith.mulf %mul3A_514, %squeeze3A_512 : vector<64xf32>
    %add3A_516 = arith.constant 9.99999993E-9 : f32
    %add3A_517 = vector.broadcast %add3A_516 : f32 to vector<64xf32>
    %add3A_518 = arith.addf %sqrt3A_510, %add3A_517 : vector<64xf32>
    %div3A_519 = arith.divf %mul3A_515, %add3A_518 : vector<64xf32>
    %broadcast_in_dim3A_520 = vector.shape_cast %div3A_519 : vector<64xf32> to vector<1x64xf32>
    %slice3A_521 = vector.extract_strided_slice %mul3A_20 {offsets = [25, 0, 0], sizes = [1, 56, 64], strides = [1, 1, 1]} : vector<40x56x64xf32> to vector<1x56x64xf32>
    %squeeze3A_522 = vector.shape_cast %slice3A_521 : vector<1x56x64xf32> to vector<56x64xf32>
    %slice3A_523 = vector.extract_strided_slice %reshape3A_24 {offsets = [25, 0, 0], sizes = [1, 56, 512], strides = [1, 1, 1]} : vector<40x56x512xf32> to vector<1x56x512xf32>
    %squeeze3A_524 = vector.shape_cast %slice3A_523 : vector<1x56x512xf32> to vector<56x512xf32>
    %dot_general3A_525 = arith.constant dense<0.000000e+00> : vector<64x512xf32>
    %dot_general3A_526 = tpu.matmul %squeeze3A_522, %squeeze3A_524, %dot_general3A_525 {dimension_numbers = #tpu.dot_dimension_numbers<[0], [0], [1], [1], [0, 1, 1, 1], [], []>, transpose_lhs_hint = false} : vector<56x64xf32>, vector<56x512xf32>, vector<64x512xf32> -> vector<64x512xf32>
    %mul3A_527 = arith.mulf %dot_general3A_526, %dot_general3A_526 : vector<64x512xf32>
    %reduce_sum3A_528 = arith.constant dense<0.000000e+00> : vector<64xf32>
    %reduce_sum3A_529 = vector.multi_reduction <add>, %mul3A_527, %reduce_sum3A_528 [1] : vector<64x512xf32> to vector<64xf32>
    %sqrt3A_530 = math.sqrt %reduce_sum3A_529 : vector<64xf32>
    %slice3A_531 = vector.extract_strided_slice %reduce_sum3A_23 {offsets = [25, 0], sizes = [1, 64], strides = [1, 1]} : vector<40x64xf32> to vector<1x64xf32>
    %squeeze3A_532 = vector.shape_cast %slice3A_531 : vector<1x64xf32> to vector<64xf32>
    %mul3A_533 = arith.constant 1.000000e+02 : f32
    %mul3A_534 = vector.broadcast %mul3A_533 : f32 to vector<64xf32>
    %mul3A_535 = arith.mulf %mul3A_534, %squeeze3A_532 : vector<64xf32>
    %add3A_536 = arith.constant 9.99999993E-9 : f32
    %add3A_537 = vector.broadcast %add3A_536 : f32 to vector<64xf32>
    %add3A_538 = arith.addf %sqrt3A_530, %add3A_537 : vector<64xf32>
    %div3A_539 = arith.divf %mul3A_535, %add3A_538 : vector<64xf32>
    %broadcast_in_dim3A_540 = vector.shape_cast %div3A_539 : vector<64xf32> to vector<1x64xf32>
    %slice3A_541 = vector.extract_strided_slice %mul3A_20 {offsets = [26, 0, 0], sizes = [1, 56, 64], strides = [1, 1, 1]} : vector<40x56x64xf32> to vector<1x56x64xf32>
    %squeeze3A_542 = vector.shape_cast %slice3A_541 : vector<1x56x64xf32> to vector<56x64xf32>
    %slice3A_543 = vector.extract_strided_slice %reshape3A_24 {offsets = [26, 0, 0], sizes = [1, 56, 512], strides = [1, 1, 1]} : vector<40x56x512xf32> to vector<1x56x512xf32>
    %squeeze3A_544 = vector.shape_cast %slice3A_543 : vector<1x56x512xf32> to vector<56x512xf32>
    %dot_general3A_545 = arith.constant dense<0.000000e+00> : vector<64x512xf32>
    %dot_general3A_546 = tpu.matmul %squeeze3A_542, %squeeze3A_544, %dot_general3A_545 {dimension_numbers = #tpu.dot_dimension_numbers<[0], [0], [1], [1], [0, 1, 1, 1], [], []>, transpose_lhs_hint = false} : vector<56x64xf32>, vector<56x512xf32>, vector<64x512xf32> -> vector<64x512xf32>
    %mul3A_547 = arith.mulf %dot_general3A_546, %dot_general3A_546 : vector<64x512xf32>
    %reduce_sum3A_548 = arith.constant dense<0.000000e+00> : vector<64xf32>
    %reduce_sum3A_549 = vector.multi_reduction <add>, %mul3A_547, %reduce_sum3A_548 [1] : vector<64x512xf32> to vector<64xf32>
    %sqrt3A_550 = math.sqrt %reduce_sum3A_549 : vector<64xf32>
    %slice3A_551 = vector.extract_strided_slice %reduce_sum3A_23 {offsets = [26, 0], sizes = [1, 64], strides = [1, 1]} : vector<40x64xf32> to vector<1x64xf32>
    %squeeze3A_552 = vector.shape_cast %slice3A_551 : vector<1x64xf32> to vector<64xf32>
    %mul3A_553 = arith.constant 1.000000e+02 : f32
    %mul3A_554 = vector.broadcast %mul3A_553 : f32 to vector<64xf32>
    %mul3A_555 = arith.mulf %mul3A_554, %squeeze3A_552 : vector<64xf32>
    %add3A_556 = arith.constant 9.99999993E-9 : f32
    %add3A_557 = vector.broadcast %add3A_556 : f32 to vector<64xf32>
    %add3A_558 = arith.addf %sqrt3A_550, %add3A_557 : vector<64xf32>
    %div3A_559 = arith.divf %mul3A_555, %add3A_558 : vector<64xf32>
    %broadcast_in_dim3A_560 = vector.shape_cast %div3A_559 : vector<64xf32> to vector<1x64xf32>
    %slice3A_561 = vector.extract_strided_slice %mul3A_20 {offsets = [27, 0, 0], sizes = [1, 56, 64], strides = [1, 1, 1]} : vector<40x56x64xf32> to vector<1x56x64xf32>
    %squeeze3A_562 = vector.shape_cast %slice3A_561 : vector<1x56x64xf32> to vector<56x64xf32>
    %slice3A_563 = vector.extract_strided_slice %reshape3A_24 {offsets = [27, 0, 0], sizes = [1, 56, 512], strides = [1, 1, 1]} : vector<40x56x512xf32> to vector<1x56x512xf32>
    %squeeze3A_564 = vector.shape_cast %slice3A_563 : vector<1x56x512xf32> to vector<56x512xf32>
    %dot_general3A_565 = arith.constant dense<0.000000e+00> : vector<64x512xf32>
    %dot_general3A_566 = tpu.matmul %squeeze3A_562, %squeeze3A_564, %dot_general3A_565 {dimension_numbers = #tpu.dot_dimension_numbers<[0], [0], [1], [1], [0, 1, 1, 1], [], []>, transpose_lhs_hint = false} : vector<56x64xf32>, vector<56x512xf32>, vector<64x512xf32> -> vector<64x512xf32>
    %mul3A_567 = arith.mulf %dot_general3A_566, %dot_general3A_566 : vector<64x512xf32>
    %reduce_sum3A_568 = arith.constant dense<0.000000e+00> : vector<64xf32>
    %reduce_sum3A_569 = vector.multi_reduction <add>, %mul3A_567, %reduce_sum3A_568 [1] : vector<64x512xf32> to vector<64xf32>
    %sqrt3A_570 = math.sqrt %reduce_sum3A_569 : vector<64xf32>
    %slice3A_571 = vector.extract_strided_slice %reduce_sum3A_23 {offsets = [27, 0], sizes = [1, 64], strides = [1, 1]} : vector<40x64xf32> to vector<1x64xf32>
    %squeeze3A_572 = vector.shape_cast %slice3A_571 : vector<1x64xf32> to vector<64xf32>
    %mul3A_573 = arith.constant 1.000000e+02 : f32
    %mul3A_574 = vector.broadcast %mul3A_573 : f32 to vector<64xf32>
    %mul3A_575 = arith.mulf %mul3A_574, %squeeze3A_572 : vector<64xf32>
    %add3A_576 = arith.constant 9.99999993E-9 : f32
    %add3A_577 = vector.broadcast %add3A_576 : f32 to vector<64xf32>
    %add3A_578 = arith.addf %sqrt3A_570, %add3A_577 : vector<64xf32>
    %div3A_579 = arith.divf %mul3A_575, %add3A_578 : vector<64xf32>
    %broadcast_in_dim3A_580 = vector.shape_cast %div3A_579 : vector<64xf32> to vector<1x64xf32>
    %slice3A_581 = vector.extract_strided_slice %mul3A_20 {offsets = [28, 0, 0], sizes = [1, 56, 64], strides = [1, 1, 1]} : vector<40x56x64xf32> to vector<1x56x64xf32>
    %squeeze3A_582 = vector.shape_cast %slice3A_581 : vector<1x56x64xf32> to vector<56x64xf32>
    %slice3A_583 = vector.extract_strided_slice %reshape3A_24 {offsets = [28, 0, 0], sizes = [1, 56, 512], strides = [1, 1, 1]} : vector<40x56x512xf32> to vector<1x56x512xf32>
    %squeeze3A_584 = vector.shape_cast %slice3A_583 : vector<1x56x512xf32> to vector<56x512xf32>
    %dot_general3A_585 = arith.constant dense<0.000000e+00> : vector<64x512xf32>
    %dot_general3A_586 = tpu.matmul %squeeze3A_582, %squeeze3A_584, %dot_general3A_585 {dimension_numbers = #tpu.dot_dimension_numbers<[0], [0], [1], [1], [0, 1, 1, 1], [], []>, transpose_lhs_hint = false} : vector<56x64xf32>, vector<56x512xf32>, vector<64x512xf32> -> vector<64x512xf32>
    %mul3A_587 = arith.mulf %dot_general3A_586, %dot_general3A_586 : vector<64x512xf32>
    %reduce_sum3A_588 = arith.constant dense<0.000000e+00> : vector<64xf32>
    %reduce_sum3A_589 = vector.multi_reduction <add>, %mul3A_587, %reduce_sum3A_588 [1] : vector<64x512xf32> to vector<64xf32>
    %sqrt3A_590 = math.sqrt %reduce_sum3A_589 : vector<64xf32>
    %slice3A_591 = vector.extract_strided_slice %reduce_sum3A_23 {offsets = [28, 0], sizes = [1, 64], strides = [1, 1]} : vector<40x64xf32> to vector<1x64xf32>
    %squeeze3A_592 = vector.shape_cast %slice3A_591 : vector<1x64xf32> to vector<64xf32>
    %mul3A_593 = arith.constant 1.000000e+02 : f32
    %mul3A_594 = vector.broadcast %mul3A_593 : f32 to vector<64xf32>
    %mul3A_595 = arith.mulf %mul3A_594, %squeeze3A_592 : vector<64xf32>
    %add3A_596 = arith.constant 9.99999993E-9 : f32
    %add3A_597 = vector.broadcast %add3A_596 : f32 to vector<64xf32>
    %add3A_598 = arith.addf %sqrt3A_590, %add3A_597 : vector<64xf32>
    %div3A_599 = arith.divf %mul3A_595, %add3A_598 : vector<64xf32>
    %broadcast_in_dim3A_600 = vector.shape_cast %div3A_599 : vector<64xf32> to vector<1x64xf32>
    %slice3A_601 = vector.extract_strided_slice %mul3A_20 {offsets = [29, 0, 0], sizes = [1, 56, 64], strides = [1, 1, 1]} : vector<40x56x64xf32> to vector<1x56x64xf32>
    %squeeze3A_602 = vector.shape_cast %slice3A_601 : vector<1x56x64xf32> to vector<56x64xf32>
    %slice3A_603 = vector.extract_strided_slice %reshape3A_24 {offsets = [29, 0, 0], sizes = [1, 56, 512], strides = [1, 1, 1]} : vector<40x56x512xf32> to vector<1x56x512xf32>
    %squeeze3A_604 = vector.shape_cast %slice3A_603 : vector<1x56x512xf32> to vector<56x512xf32>
    %dot_general3A_605 = arith.constant dense<0.000000e+00> : vector<64x512xf32>
    %dot_general3A_606 = tpu.matmul %squeeze3A_602, %squeeze3A_604, %dot_general3A_605 {dimension_numbers = #tpu.dot_dimension_numbers<[0], [0], [1], [1], [0, 1, 1, 1], [], []>, transpose_lhs_hint = false} : vector<56x64xf32>, vector<56x512xf32>, vector<64x512xf32> -> vector<64x512xf32>
    %mul3A_607 = arith.mulf %dot_general3A_606, %dot_general3A_606 : vector<64x512xf32>
    %reduce_sum3A_608 = arith.constant dense<0.000000e+00> : vector<64xf32>
    %reduce_sum3A_609 = vector.multi_reduction <add>, %mul3A_607, %reduce_sum3A_608 [1] : vector<64x512xf32> to vector<64xf32>
    %sqrt3A_610 = math.sqrt %reduce_sum3A_609 : vector<64xf32>
    %slice3A_611 = vector.extract_strided_slice %reduce_sum3A_23 {offsets = [29, 0], sizes = [1, 64], strides = [1, 1]} : vector<40x64xf32> to vector<1x64xf32>
    %squeeze3A_612 = vector.shape_cast %slice3A_611 : vector<1x64xf32> to vector<64xf32>
    %mul3A_613 = arith.constant 1.000000e+02 : f32
    %mul3A_614 = vector.broadcast %mul3A_613 : f32 to vector<64xf32>
    %mul3A_615 = arith.mulf %mul3A_614, %squeeze3A_612 : vector<64xf32>
    %add3A_616 = arith.constant 9.99999993E-9 : f32
    %add3A_617 = vector.broadcast %add3A_616 : f32 to vector<64xf32>
    %add3A_618 = arith.addf %sqrt3A_610, %add3A_617 : vector<64xf32>
    %div3A_619 = arith.divf %mul3A_615, %add3A_618 : vector<64xf32>
    %broadcast_in_dim3A_620 = vector.shape_cast %div3A_619 : vector<64xf32> to vector<1x64xf32>
    %slice3A_621 = vector.extract_strided_slice %mul3A_20 {offsets = [30, 0, 0], sizes = [1, 56, 64], strides = [1, 1, 1]} : vector<40x56x64xf32> to vector<1x56x64xf32>
    %squeeze3A_622 = vector.shape_cast %slice3A_621 : vector<1x56x64xf32> to vector<56x64xf32>
    %slice3A_623 = vector.extract_strided_slice %reshape3A_24 {offsets = [30, 0, 0], sizes = [1, 56, 512], strides = [1, 1, 1]} : vector<40x56x512xf32> to vector<1x56x512xf32>
    %squeeze3A_624 = vector.shape_cast %slice3A_623 : vector<1x56x512xf32> to vector<56x512xf32>
    %dot_general3A_625 = arith.constant dense<0.000000e+00> : vector<64x512xf32>
    %dot_general3A_626 = tpu.matmul %squeeze3A_622, %squeeze3A_624, %dot_general3A_625 {dimension_numbers = #tpu.dot_dimension_numbers<[0], [0], [1], [1], [0, 1, 1, 1], [], []>, transpose_lhs_hint = false} : vector<56x64xf32>, vector<56x512xf32>, vector<64x512xf32> -> vector<64x512xf32>
    %mul3A_627 = arith.mulf %dot_general3A_626, %dot_general3A_626 : vector<64x512xf32>
    %reduce_sum3A_628 = arith.constant dense<0.000000e+00> : vector<64xf32>
    %reduce_sum3A_629 = vector.multi_reduction <add>, %mul3A_627, %reduce_sum3A_628 [1] : vector<64x512xf32> to vector<64xf32>
    %sqrt3A_630 = math.sqrt %reduce_sum3A_629 : vector<64xf32>
    %slice3A_631 = vector.extract_strided_slice %reduce_sum3A_23 {offsets = [30, 0], sizes = [1, 64], strides = [1, 1]} : vector<40x64xf32> to vector<1x64xf32>
    %squeeze3A_632 = vector.shape_cast %slice3A_631 : vector<1x64xf32> to vector<64xf32>
    %mul3A_633 = arith.constant 1.000000e+02 : f32
    %mul3A_634 = vector.broadcast %mul3A_633 : f32 to vector<64xf32>
    %mul3A_635 = arith.mulf %mul3A_634, %squeeze3A_632 : vector<64xf32>
    %add3A_636 = arith.constant 9.99999993E-9 : f32
    %add3A_637 = vector.broadcast %add3A_636 : f32 to vector<64xf32>
    %add3A_638 = arith.addf %sqrt3A_630, %add3A_637 : vector<64xf32>
    %div3A_639 = arith.divf %mul3A_635, %add3A_638 : vector<64xf32>
    %broadcast_in_dim3A_640 = vector.shape_cast %div3A_639 : vector<64xf32> to vector<1x64xf32>
    %slice3A_641 = vector.extract_strided_slice %mul3A_20 {offsets = [31, 0, 0], sizes = [1, 56, 64], strides = [1, 1, 1]} : vector<40x56x64xf32> to vector<1x56x64xf32>
    %squeeze3A_642 = vector.shape_cast %slice3A_641 : vector<1x56x64xf32> to vector<56x64xf32>
    %slice3A_643 = vector.extract_strided_slice %reshape3A_24 {offsets = [31, 0, 0], sizes = [1, 56, 512], strides = [1, 1, 1]} : vector<40x56x512xf32> to vector<1x56x512xf32>
    %squeeze3A_644 = vector.shape_cast %slice3A_643 : vector<1x56x512xf32> to vector<56x512xf32>
    %dot_general3A_645 = arith.constant dense<0.000000e+00> : vector<64x512xf32>
    %dot_general3A_646 = tpu.matmul %squeeze3A_642, %squeeze3A_644, %dot_general3A_645 {dimension_numbers = #tpu.dot_dimension_numbers<[0], [0], [1], [1], [0, 1, 1, 1], [], []>, transpose_lhs_hint = false} : vector<56x64xf32>, vector<56x512xf32>, vector<64x512xf32> -> vector<64x512xf32>
    %mul3A_647 = arith.mulf %dot_general3A_646, %dot_general3A_646 : vector<64x512xf32>
    %reduce_sum3A_648 = arith.constant dense<0.000000e+00> : vector<64xf32>
    %reduce_sum3A_649 = vector.multi_reduction <add>, %mul3A_647, %reduce_sum3A_648 [1] : vector<64x512xf32> to vector<64xf32>
    %sqrt3A_650 = math.sqrt %reduce_sum3A_649 : vector<64xf32>
    %slice3A_651 = vector.extract_strided_slice %reduce_sum3A_23 {offsets = [31, 0], sizes = [1, 64], strides = [1, 1]} : vector<40x64xf32> to vector<1x64xf32>
    %squeeze3A_652 = vector.shape_cast %slice3A_651 : vector<1x64xf32> to vector<64xf32>
    %mul3A_653 = arith.constant 1.000000e+02 : f32
    %mul3A_654 = vector.broadcast %mul3A_653 : f32 to vector<64xf32>
    %mul3A_655 = arith.mulf %mul3A_654, %squeeze3A_652 : vector<64xf32>
    %add3A_656 = arith.constant 9.99999993E-9 : f32
    %add3A_657 = vector.broadcast %add3A_656 : f32 to vector<64xf32>
    %add3A_658 = arith.addf %sqrt3A_650, %add3A_657 : vector<64xf32>
    %div3A_659 = arith.divf %mul3A_655, %add3A_658 : vector<64xf32>
    %broadcast_in_dim3A_660 = vector.shape_cast %div3A_659 : vector<64xf32> to vector<1x64xf32>
    %slice3A_661 = vector.extract_strided_slice %mul3A_20 {offsets = [32, 0, 0], sizes = [1, 56, 64], strides = [1, 1, 1]} : vector<40x56x64xf32> to vector<1x56x64xf32>
    %squeeze3A_662 = vector.shape_cast %slice3A_661 : vector<1x56x64xf32> to vector<56x64xf32>
    %slice3A_663 = vector.extract_strided_slice %reshape3A_24 {offsets = [32, 0, 0], sizes = [1, 56, 512], strides = [1, 1, 1]} : vector<40x56x512xf32> to vector<1x56x512xf32>
    %squeeze3A_664 = vector.shape_cast %slice3A_663 : vector<1x56x512xf32> to vector<56x512xf32>
    %dot_general3A_665 = arith.constant dense<0.000000e+00> : vector<64x512xf32>
    %dot_general3A_666 = tpu.matmul %squeeze3A_662, %squeeze3A_664, %dot_general3A_665 {dimension_numbers = #tpu.dot_dimension_numbers<[0], [0], [1], [1], [0, 1, 1, 1], [], []>, transpose_lhs_hint = false} : vector<56x64xf32>, vector<56x512xf32>, vector<64x512xf32> -> vector<64x512xf32>
    %mul3A_667 = arith.mulf %dot_general3A_666, %dot_general3A_666 : vector<64x512xf32>
    %reduce_sum3A_668 = arith.constant dense<0.000000e+00> : vector<64xf32>
    %reduce_sum3A_669 = vector.multi_reduction <add>, %mul3A_667, %reduce_sum3A_668 [1] : vector<64x512xf32> to vector<64xf32>
    %sqrt3A_670 = math.sqrt %reduce_sum3A_669 : vector<64xf32>
    %slice3A_671 = vector.extract_strided_slice %reduce_sum3A_23 {offsets = [32, 0], sizes = [1, 64], strides = [1, 1]} : vector<40x64xf32> to vector<1x64xf32>
    %squeeze3A_672 = vector.shape_cast %slice3A_671 : vector<1x64xf32> to vector<64xf32>
    %mul3A_673 = arith.constant 1.000000e+02 : f32
    %mul3A_674 = vector.broadcast %mul3A_673 : f32 to vector<64xf32>
    %mul3A_675 = arith.mulf %mul3A_674, %squeeze3A_672 : vector<64xf32>
    %add3A_676 = arith.constant 9.99999993E-9 : f32
    %add3A_677 = vector.broadcast %add3A_676 : f32 to vector<64xf32>
    %add3A_678 = arith.addf %sqrt3A_670, %add3A_677 : vector<64xf32>
    %div3A_679 = arith.divf %mul3A_675, %add3A_678 : vector<64xf32>
    %broadcast_in_dim3A_680 = vector.shape_cast %div3A_679 : vector<64xf32> to vector<1x64xf32>
    %slice3A_681 = vector.extract_strided_slice %mul3A_20 {offsets = [33, 0, 0], sizes = [1, 56, 64], strides = [1, 1, 1]} : vector<40x56x64xf32> to vector<1x56x64xf32>
    %squeeze3A_682 = vector.shape_cast %slice3A_681 : vector<1x56x64xf32> to vector<56x64xf32>
    %slice3A_683 = vector.extract_strided_slice %reshape3A_24 {offsets = [33, 0, 0], sizes = [1, 56, 512], strides = [1, 1, 1]} : vector<40x56x512xf32> to vector<1x56x512xf32>
    %squeeze3A_684 = vector.shape_cast %slice3A_683 : vector<1x56x512xf32> to vector<56x512xf32>
    %dot_general3A_685 = arith.constant dense<0.000000e+00> : vector<64x512xf32>
    %dot_general3A_686 = tpu.matmul %squeeze3A_682, %squeeze3A_684, %dot_general3A_685 {dimension_numbers = #tpu.dot_dimension_numbers<[0], [0], [1], [1], [0, 1, 1, 1], [], []>, transpose_lhs_hint = false} : vector<56x64xf32>, vector<56x512xf32>, vector<64x512xf32> -> vector<64x512xf32>
    %mul3A_687 = arith.mulf %dot_general3A_686, %dot_general3A_686 : vector<64x512xf32>
    %reduce_sum3A_688 = arith.constant dense<0.000000e+00> : vector<64xf32>
    %reduce_sum3A_689 = vector.multi_reduction <add>, %mul3A_687, %reduce_sum3A_688 [1] : vector<64x512xf32> to vector<64xf32>
    %sqrt3A_690 = math.sqrt %reduce_sum3A_689 : vector<64xf32>
    %slice3A_691 = vector.extract_strided_slice %reduce_sum3A_23 {offsets = [33, 0], sizes = [1, 64], strides = [1, 1]} : vector<40x64xf32> to vector<1x64xf32>
    %squeeze3A_692 = vector.shape_cast %slice3A_691 : vector<1x64xf32> to vector<64xf32>
    %mul3A_693 = arith.constant 1.000000e+02 : f32
    %mul3A_694 = vector.broadcast %mul3A_693 : f32 to vector<64xf32>
    %mul3A_695 = arith.mulf %mul3A_694, %squeeze3A_692 : vector<64xf32>
    %add3A_696 = arith.constant 9.99999993E-9 : f32
    %add3A_697 = vector.broadcast %add3A_696 : f32 to vector<64xf32>
    %add3A_698 = arith.addf %sqrt3A_690, %add3A_697 : vector<64xf32>
    %div3A_699 = arith.divf %mul3A_695, %add3A_698 : vector<64xf32>
    %broadcast_in_dim3A_700 = vector.shape_cast %div3A_699 : vector<64xf32> to vector<1x64xf32>
    %slice3A_701 = vector.extract_strided_slice %mul3A_20 {offsets = [34, 0, 0], sizes = [1, 56, 64], strides = [1, 1, 1]} : vector<40x56x64xf32> to vector<1x56x64xf32>
    %squeeze3A_702 = vector.shape_cast %slice3A_701 : vector<1x56x64xf32> to vector<56x64xf32>
    %slice3A_703 = vector.extract_strided_slice %reshape3A_24 {offsets = [34, 0, 0], sizes = [1, 56, 512], strides = [1, 1, 1]} : vector<40x56x512xf32> to vector<1x56x512xf32>
    %squeeze3A_704 = vector.shape_cast %slice3A_703 : vector<1x56x512xf32> to vector<56x512xf32>
    %dot_general3A_705 = arith.constant dense<0.000000e+00> : vector<64x512xf32>
    %dot_general3A_706 = tpu.matmul %squeeze3A_702, %squeeze3A_704, %dot_general3A_705 {dimension_numbers = #tpu.dot_dimension_numbers<[0], [0], [1], [1], [0, 1, 1, 1], [], []>, transpose_lhs_hint = false} : vector<56x64xf32>, vector<56x512xf32>, vector<64x512xf32> -> vector<64x512xf32>
    %mul3A_707 = arith.mulf %dot_general3A_706, %dot_general3A_706 : vector<64x512xf32>
    %reduce_sum3A_708 = arith.constant dense<0.000000e+00> : vector<64xf32>
    %reduce_sum3A_709 = vector.multi_reduction <add>, %mul3A_707, %reduce_sum3A_708 [1] : vector<64x512xf32> to vector<64xf32>
    %sqrt3A_710 = math.sqrt %reduce_sum3A_709 : vector<64xf32>
    %slice3A_711 = vector.extract_strided_slice %reduce_sum3A_23 {offsets = [34, 0], sizes = [1, 64], strides = [1, 1]} : vector<40x64xf32> to vector<1x64xf32>
    %squeeze3A_712 = vector.shape_cast %slice3A_711 : vector<1x64xf32> to vector<64xf32>
    %mul3A_713 = arith.constant 1.000000e+02 : f32
    %mul3A_714 = vector.broadcast %mul3A_713 : f32 to vector<64xf32>
    %mul3A_715 = arith.mulf %mul3A_714, %squeeze3A_712 : vector<64xf32>
    %add3A_716 = arith.constant 9.99999993E-9 : f32
    %add3A_717 = vector.broadcast %add3A_716 : f32 to vector<64xf32>
    %add3A_718 = arith.addf %sqrt3A_710, %add3A_717 : vector<64xf32>
    %div3A_719 = arith.divf %mul3A_715, %add3A_718 : vector<64xf32>
    %broadcast_in_dim3A_720 = vector.shape_cast %div3A_719 : vector<64xf32> to vector<1x64xf32>
    %slice3A_721 = vector.extract_strided_slice %mul3A_20 {offsets = [35, 0, 0], sizes = [1, 56, 64], strides = [1, 1, 1]} : vector<40x56x64xf32> to vector<1x56x64xf32>
    %squeeze3A_722 = vector.shape_cast %slice3A_721 : vector<1x56x64xf32> to vector<56x64xf32>
    %slice3A_723 = vector.extract_strided_slice %reshape3A_24 {offsets = [35, 0, 0], sizes = [1, 56, 512], strides = [1, 1, 1]} : vector<40x56x512xf32> to vector<1x56x512xf32>
    %squeeze3A_724 = vector.shape_cast %slice3A_723 : vector<1x56x512xf32> to vector<56x512xf32>
    %dot_general3A_725 = arith.constant dense<0.000000e+00> : vector<64x512xf32>
    %dot_general3A_726 = tpu.matmul %squeeze3A_722, %squeeze3A_724, %dot_general3A_725 {dimension_numbers = #tpu.dot_dimension_numbers<[0], [0], [1], [1], [0, 1, 1, 1], [], []>, transpose_lhs_hint = false} : vector<56x64xf32>, vector<56x512xf32>, vector<64x512xf32> -> vector<64x512xf32>
    %mul3A_727 = arith.mulf %dot_general3A_726, %dot_general3A_726 : vector<64x512xf32>
    %reduce_sum3A_728 = arith.constant dense<0.000000e+00> : vector<64xf32>
    %reduce_sum3A_729 = vector.multi_reduction <add>, %mul3A_727, %reduce_sum3A_728 [1] : vector<64x512xf32> to vector<64xf32>
    %sqrt3A_730 = math.sqrt %reduce_sum3A_729 : vector<64xf32>
    %slice3A_731 = vector.extract_strided_slice %reduce_sum3A_23 {offsets = [35, 0], sizes = [1, 64], strides = [1, 1]} : vector<40x64xf32> to vector<1x64xf32>
    %squeeze3A_732 = vector.shape_cast %slice3A_731 : vector<1x64xf32> to vector<64xf32>
    %mul3A_733 = arith.constant 1.000000e+02 : f32
    %mul3A_734 = vector.broadcast %mul3A_733 : f32 to vector<64xf32>
    %mul3A_735 = arith.mulf %mul3A_734, %squeeze3A_732 : vector<64xf32>
    %add3A_736 = arith.constant 9.99999993E-9 : f32
    %add3A_737 = vector.broadcast %add3A_736 : f32 to vector<64xf32>
    %add3A_738 = arith.addf %sqrt3A_730, %add3A_737 : vector<64xf32>
    %div3A_739 = arith.divf %mul3A_735, %add3A_738 : vector<64xf32>
    %broadcast_in_dim3A_740 = vector.shape_cast %div3A_739 : vector<64xf32> to vector<1x64xf32>
    %slice3A_741 = vector.extract_strided_slice %mul3A_20 {offsets = [36, 0, 0], sizes = [1, 56, 64], strides = [1, 1, 1]} : vector<40x56x64xf32> to vector<1x56x64xf32>
    %squeeze3A_742 = vector.shape_cast %slice3A_741 : vector<1x56x64xf32> to vector<56x64xf32>
    %slice3A_743 = vector.extract_strided_slice %reshape3A_24 {offsets = [36, 0, 0], sizes = [1, 56, 512], strides = [1, 1, 1]} : vector<40x56x512xf32> to vector<1x56x512xf32>
    %squeeze3A_744 = vector.shape_cast %slice3A_743 : vector<1x56x512xf32> to vector<56x512xf32>
    %dot_general3A_745 = arith.constant dense<0.000000e+00> : vector<64x512xf32>
    %dot_general3A_746 = tpu.matmul %squeeze3A_742, %squeeze3A_744, %dot_general3A_745 {dimension_numbers = #tpu.dot_dimension_numbers<[0], [0], [1], [1], [0, 1, 1, 1], [], []>, transpose_lhs_hint = false} : vector<56x64xf32>, vector<56x512xf32>, vector<64x512xf32> -> vector<64x512xf32>
    %mul3A_747 = arith.mulf %dot_general3A_746, %dot_general3A_746 : vector<64x512xf32>
    %reduce_sum3A_748 = arith.constant dense<0.000000e+00> : vector<64xf32>
    %reduce_sum3A_749 = vector.multi_reduction <add>, %mul3A_747, %reduce_sum3A_748 [1] : vector<64x512xf32> to vector<64xf32>
    %sqrt3A_750 = math.sqrt %reduce_sum3A_749 : vector<64xf32>
    %slice3A_751 = vector.extract_strided_slice %reduce_sum3A_23 {offsets = [36, 0], sizes = [1, 64], strides = [1, 1]} : vector<40x64xf32> to vector<1x64xf32>
    %squeeze3A_752 = vector.shape_cast %slice3A_751 : vector<1x64xf32> to vector<64xf32>
    %mul3A_753 = arith.constant 1.000000e+02 : f32
    %mul3A_754 = vector.broadcast %mul3A_753 : f32 to vector<64xf32>
    %mul3A_755 = arith.mulf %mul3A_754, %squeeze3A_752 : vector<64xf32>
    %add3A_756 = arith.constant 9.99999993E-9 : f32
    %add3A_757 = vector.broadcast %add3A_756 : f32 to vector<64xf32>
    %add3A_758 = arith.addf %sqrt3A_750, %add3A_757 : vector<64xf32>
    %div3A_759 = arith.divf %mul3A_755, %add3A_758 : vector<64xf32>
    %broadcast_in_dim3A_760 = vector.shape_cast %div3A_759 : vector<64xf32> to vector<1x64xf32>
    %slice3A_761 = vector.extract_strided_slice %mul3A_20 {offsets = [37, 0, 0], sizes = [1, 56, 64], strides = [1, 1, 1]} : vector<40x56x64xf32> to vector<1x56x64xf32>
    %squeeze3A_762 = vector.shape_cast %slice3A_761 : vector<1x56x64xf32> to vector<56x64xf32>
    %slice3A_763 = vector.extract_strided_slice %reshape3A_24 {offsets = [37, 0, 0], sizes = [1, 56, 512], strides = [1, 1, 1]} : vector<40x56x512xf32> to vector<1x56x512xf32>
    %squeeze3A_764 = vector.shape_cast %slice3A_763 : vector<1x56x512xf32> to vector<56x512xf32>
    %dot_general3A_765 = arith.constant dense<0.000000e+00> : vector<64x512xf32>
    %dot_general3A_766 = tpu.matmul %squeeze3A_762, %squeeze3A_764, %dot_general3A_765 {dimension_numbers = #tpu.dot_dimension_numbers<[0], [0], [1], [1], [0, 1, 1, 1], [], []>, transpose_lhs_hint = false} : vector<56x64xf32>, vector<56x512xf32>, vector<64x512xf32> -> vector<64x512xf32>
    %mul3A_767 = arith.mulf %dot_general3A_766, %dot_general3A_766 : vector<64x512xf32>
    %reduce_sum3A_768 = arith.constant dense<0.000000e+00> : vector<64xf32>
    %reduce_sum3A_769 = vector.multi_reduction <add>, %mul3A_767, %reduce_sum3A_768 [1] : vector<64x512xf32> to vector<64xf32>
    %sqrt3A_770 = math.sqrt %reduce_sum3A_769 : vector<64xf32>
    %slice3A_771 = vector.extract_strided_slice %reduce_sum3A_23 {offsets = [37, 0], sizes = [1, 64], strides = [1, 1]} : vector<40x64xf32> to vector<1x64xf32>
    %squeeze3A_772 = vector.shape_cast %slice3A_771 : vector<1x64xf32> to vector<64xf32>
    %mul3A_773 = arith.constant 1.000000e+02 : f32
    %mul3A_774 = vector.broadcast %mul3A_773 : f32 to vector<64xf32>
    %mul3A_775 = arith.mulf %mul3A_774, %squeeze3A_772 : vector<64xf32>
    %add3A_776 = arith.constant 9.99999993E-9 : f32
    %add3A_777 = vector.broadcast %add3A_776 : f32 to vector<64xf32>
    %add3A_778 = arith.addf %sqrt3A_770, %add3A_777 : vector<64xf32>
    %div3A_779 = arith.divf %mul3A_775, %add3A_778 : vector<64xf32>
    %broadcast_in_dim3A_780 = vector.shape_cast %div3A_779 : vector<64xf32> to vector<1x64xf32>
    %slice3A_781 = vector.extract_strided_slice %mul3A_20 {offsets = [38, 0, 0], sizes = [1, 56, 64], strides = [1, 1, 1]} : vector<40x56x64xf32> to vector<1x56x64xf32>
    %squeeze3A_782 = vector.shape_cast %slice3A_781 : vector<1x56x64xf32> to vector<56x64xf32>
    %slice3A_783 = vector.extract_strided_slice %reshape3A_24 {offsets = [38, 0, 0], sizes = [1, 56, 512], strides = [1, 1, 1]} : vector<40x56x512xf32> to vector<1x56x512xf32>
    %squeeze3A_784 = vector.shape_cast %slice3A_783 : vector<1x56x512xf32> to vector<56x512xf32>
    %dot_general3A_785 = arith.constant dense<0.000000e+00> : vector<64x512xf32>
    %dot_general3A_786 = tpu.matmul %squeeze3A_782, %squeeze3A_784, %dot_general3A_785 {dimension_numbers = #tpu.dot_dimension_numbers<[0], [0], [1], [1], [0, 1, 1, 1], [], []>, transpose_lhs_hint = false} : vector<56x64xf32>, vector<56x512xf32>, vector<64x512xf32> -> vector<64x512xf32>
    %mul3A_787 = arith.mulf %dot_general3A_786, %dot_general3A_786 : vector<64x512xf32>
    %reduce_sum3A_788 = arith.constant dense<0.000000e+00> : vector<64xf32>
    %reduce_sum3A_789 = vector.multi_reduction <add>, %mul3A_787, %reduce_sum3A_788 [1] : vector<64x512xf32> to vector<64xf32>
    %sqrt3A_790 = math.sqrt %reduce_sum3A_789 : vector<64xf32>
    %slice3A_791 = vector.extract_strided_slice %reduce_sum3A_23 {offsets = [38, 0], sizes = [1, 64], strides = [1, 1]} : vector<40x64xf32> to vector<1x64xf32>
    %squeeze3A_792 = vector.shape_cast %slice3A_791 : vector<1x64xf32> to vector<64xf32>
    %mul3A_793 = arith.constant 1.000000e+02 : f32
    %mul3A_794 = vector.broadcast %mul3A_793 : f32 to vector<64xf32>
    %mul3A_795 = arith.mulf %mul3A_794, %squeeze3A_792 : vector<64xf32>
    %add3A_796 = arith.constant 9.99999993E-9 : f32
    %add3A_797 = vector.broadcast %add3A_796 : f32 to vector<64xf32>
    %add3A_798 = arith.addf %sqrt3A_790, %add3A_797 : vector<64xf32>
    %div3A_799 = arith.divf %mul3A_795, %add3A_798 : vector<64xf32>
    %broadcast_in_dim3A_800 = vector.shape_cast %div3A_799 : vector<64xf32> to vector<1x64xf32>
    %slice3A_801 = vector.extract_strided_slice %mul3A_20 {offsets = [39, 0, 0], sizes = [1, 56, 64], strides = [1, 1, 1]} : vector<40x56x64xf32> to vector<1x56x64xf32>
    %squeeze3A_802 = vector.shape_cast %slice3A_801 : vector<1x56x64xf32> to vector<56x64xf32>
    %slice3A_803 = vector.extract_strided_slice %reshape3A_24 {offsets = [39, 0, 0], sizes = [1, 56, 512], strides = [1, 1, 1]} : vector<40x56x512xf32> to vector<1x56x512xf32>
    %squeeze3A_804 = vector.shape_cast %slice3A_803 : vector<1x56x512xf32> to vector<56x512xf32>
    %dot_general3A_805 = arith.constant dense<0.000000e+00> : vector<64x512xf32>
    %dot_general3A_806 = tpu.matmul %squeeze3A_802, %squeeze3A_804, %dot_general3A_805 {dimension_numbers = #tpu.dot_dimension_numbers<[0], [0], [1], [1], [0, 1, 1, 1], [], []>, transpose_lhs_hint = false} : vector<56x64xf32>, vector<56x512xf32>, vector<64x512xf32> -> vector<64x512xf32>
    %mul3A_807 = arith.mulf %dot_general3A_806, %dot_general3A_806 : vector<64x512xf32>
    %reduce_sum3A_808 = arith.constant dense<0.000000e+00> : vector<64xf32>
    %reduce_sum3A_809 = vector.multi_reduction <add>, %mul3A_807, %reduce_sum3A_808 [1] : vector<64x512xf32> to vector<64xf32>
    %sqrt3A_810 = math.sqrt %reduce_sum3A_809 : vector<64xf32>
    %slice3A_811 = vector.extract_strided_slice %reduce_sum3A_23 {offsets = [39, 0], sizes = [1, 64], strides = [1, 1]} : vector<40x64xf32> to vector<1x64xf32>
    %squeeze3A_812 = vector.shape_cast %slice3A_811 : vector<1x64xf32> to vector<64xf32>
    %mul3A_813 = arith.constant 1.000000e+02 : f32
    %mul3A_814 = vector.broadcast %mul3A_813 : f32 to vector<64xf32>
    %mul3A_815 = arith.mulf %mul3A_814, %squeeze3A_812 : vector<64xf32>
    %add3A_816 = arith.constant 9.99999993E-9 : f32
    %add3A_817 = vector.broadcast %add3A_816 : f32 to vector<64xf32>
    %add3A_818 = arith.addf %sqrt3A_810, %add3A_817 : vector<64xf32>
    %div3A_819 = arith.divf %mul3A_815, %add3A_818 : vector<64xf32>
    %broadcast_in_dim3A_820 = vector.shape_cast %div3A_819 : vector<64xf32> to vector<1x64xf32>
    %concatenate3A = tpu.concatenate %broadcast_in_dim3A_40, %broadcast_in_dim3A_60, %broadcast_in_dim3A_80, %broadcast_in_dim3A_100, %broadcast_in_dim3A_120, %broadcast_in_dim3A_140, %broadcast_in_dim3A_160, %broadcast_in_dim3A_180, %broadcast_in_dim3A_200, %broadcast_in_dim3A_220, %broadcast_in_dim3A_240, %broadcast_in_dim3A_260, %broadcast_in_dim3A_280, %broadcast_in_dim3A_300, %broadcast_in_dim3A_320, %broadcast_in_dim3A_340, %broadcast_in_dim3A_360, %broadcast_in_dim3A_380, %broadcast_in_dim3A_400, %broadcast_in_dim3A_420, %broadcast_in_dim3A_440, %broadcast_in_dim3A_460, %broadcast_in_dim3A_480, %broadcast_in_dim3A_500, %broadcast_in_dim3A_520, %broadcast_in_dim3A_540, %broadcast_in_dim3A_560, %broadcast_in_dim3A_580, %broadcast_in_dim3A_600, %broadcast_in_dim3A_620, %broadcast_in_dim3A_640, %broadcast_in_dim3A_660, %broadcast_in_dim3A_680, %broadcast_in_dim3A_700, %broadcast_in_dim3A_720, %broadcast_in_dim3A_740, %broadcast_in_dim3A_760, %broadcast_in_dim3A_780, %broadcast_in_dim3A_800, %broadcast_in_dim3A_820 in 0 : vector<1x64xf32>, vector<1x64xf32>, vector<1x64xf32>, vector<1x64xf32>, vector<1x64xf32>, vector<1x64xf32>, vector<1x64xf32>, vector<1x64xf32>, vector<1x64xf32>, vector<1x64xf32>, vector<1x64xf32>, vector<1x64xf32>, vector<1x64xf32>, vector<1x64xf32>, vector<1x64xf32>, vector<1x64xf32>, vector<1x64xf32>, vector<1x64xf32>, vector<1x64xf32>, vector<1x64xf32>, vector<1x64xf32>, vector<1x64xf32>, vector<1x64xf32>, vector<1x64xf32>, vector<1x64xf32>, vector<1x64xf32>, vector<1x64xf32>, vector<1x64xf32>, vector<1x64xf32>, vector<1x64xf32>, vector<1x64xf32>, vector<1x64xf32>, vector<1x64xf32>, vector<1x64xf32>, vector<1x64xf32>, vector<1x64xf32>, vector<1x64xf32>, vector<1x64xf32>, vector<1x64xf32>, vector<1x64xf32> -> vector<40x64xf32>
    %swap3A = arith.constant 0 : index
    %swap3A_821 = arith.constant 0 : index
    %swap3A_822 = vector.load %arg3[%swap3A, %swap3A_821] : memref<40x64xf32, #tpu.memory_space<vmem>>, vector<40x64xf32>
    tpu.vector_store %arg3[%swap3A, %swap3A_821], %concatenate3A {strides = array<i32>} : memref<40x64xf32, #tpu.memory_space<vmem>>, vector<40x64xf32>,
    return
  }
  func.func @transform_0(%arg0: i32) -> (i32, i32) {
    %c0_i32 = arith.constant 0 : i32
    %c0_i32_0 = arith.constant 0 : i32
    return %arg0, %c0_i32 : i32, i32
  }
  func.func @transform_1(%arg0: i32) -> (i32, i32) {
    %c0_i32 = arith.constant 0 : i32
    %c0_i32_0 = arith.constant 0 : i32
    %c0_i32_1 = arith.constant 0 : i32
    return %c0_i32, %c0_i32_0 : i32, i32
  }
  func.func @transform_2(%arg0: i32) -> (i32, i32) {
    %c0_i32 = arith.constant 0 : i32
    %c0_i32_0 = arith.constant 0 : i32
    return %arg0, %c0_i32 : i32, i32
  }
}

module attributes {stable_mosaic.version = 14 : i64} {
  func.func @_transpose_body(%arg0: memref<1000x64xf32, #tpu.memory_space<vmem>>, %arg1: memref<64x1000xf32, #tpu.memory_space<vmem>>) attributes {dimension_semantics = [], scalar_prefetch = 0 : i64, scratch_operands = 0 : i64, tpu.core_type = #tpu.core_type<tc>} {
    %get3A = arith.constant 0 : index
    %get3A_0 = arith.constant 0 : index
    %get3A_1 = vector.load %arg0[%get3A, %get3A_0] : memref<1000x64xf32, #tpu.memory_space<vmem>>, vector<1000x64xf32>
    %transpose3A = tpu.transpose %get3A_1, [1, 0] : vector<1000x64xf32> -> vector<64x1000xf32>
    %swap3A = arith.constant 0 : index
    %swap3A_2 = arith.constant 0 : index
    %swap3A_3 = vector.load %arg1[%swap3A, %swap3A_2] : memref<64x1000xf32, #tpu.memory_space<vmem>>, vector<64x1000xf32>
    tpu.vector_store %arg1[%swap3A, %swap3A_2], %transpose3A {strides = array<i32>} : memref<64x1000xf32, #tpu.memory_space<vmem>>, vector<64x1000xf32>,
    return
  }
}

</mosaic_0001>

<sc_bundles>
// kernel: kernel.9.cloned.1.call-start
scs
__scs_entry_jumppad:
0x0: {  	(pc) =	sbr.rel $0x88, $3  }
0x1: {  	(tag) =	ssettag $0x0;
	lr =	simm.s32 $0x1  }
0x2: {  	[smem:$0x3F9D] =	sst lr;
	_ =	strace $0xD0000000  }
0x3: {  	_ = 	snop  }
0x4: {  	_ = 	snop  }
0x5: {  	_ = 	snop  }
0x6: {  	_ = 	snop  }
0x7: {  	_ = 	snop  }
__scs_overlays_trampoline_lowered:
0x8: {  	[smem:$0x3FAC] =	sst s0  }
0x9: {  	[smem:$0x3FAD] =	sst s1  }
0xa: {  	[smem:$0x3FAE] =	sst s2  }
0xb: {  	[smem:$0x3FAF] =	sst s3  }
0xc: {  	[smem:$0x3FB0] =	sst s4  }
0xd: {  	[smem:$0x3FB1] =	sst s5  }
0xe: {  	[smem:$0x3FB2] =	sst s6  }
0xf: {  	[smem:$0x3FB3] =	sst s7  }
0x10: {  	[smem:$0x3FB4] =	sst s8  }
0x11: {  	[smem:$0x3FB5] =	sst s9;
	s0 =	simm.s32 @!p0 $0x0  }
0x12: {  	s1 =	sld [smem:$0x3F9B];
	s0 =	simm.s32 @p0 $0x1  }
0x13: {  	[smem:$0x3FB6] =	sst s0;
	s0 =	simm.s32 @!p1 $0x0  }
0x14: {  	s2 =	sld [smem:$0x3F9A];
	s0 =	simm.s32 @p1 $0x1  }
0x15: {  	[smem:$0x3FB7] =	sst s0;
	s0 =	simm.s32 @!p2 $0x0  }
0x16: {  	s3 =	sld [smem:$0x3FDB];
	s0 =	simm.s32 @p2 $0x1  }
0x17: {  	s4 =	simm.s32 $0x1BF5;
	[smem:$0x3FB9] =	sst s0  }
0x18: {  	s0 =	sld [smem:$0x3F9C];
	_ =	swait.ge [sflag:s4], $0x0  }
0x19: {  	s7 =	sld [smem:$0x3F9D]  }
0x1a: {  	s8 =	sadd.s32 $0xFFFFE003, lr  }
0x1b: {  	s9 =	sadd.s32 $0xFFFFFEF7, lr;
	s5 =	simm.s32 $0xFFFFFFFF;
	p2 =	slt.u32 s8, $0xFFFFF086  }
0x1c: {  	p1 =	slt.u32 s9, $0xF7A;
	s5 =	simm.s32 @!p2 $0x0  }
0x1d: {  	s5 =	simm.s32 @p1 $0x1;
	p0 =	seq.s32 s7, s2  }
0x1e: {  	s7 =	smul.u32 @!p0 $0xF7A, s2;
	p2 =	seq.s32 @!p0 s5, $0x0  }
0x1f: {  	s9 =	smul.u32 $0xF7A, s1;
	s8 =	simm.s32 @!p0 $0x1BF5;
	p2 =	por !p2, p0  }
0x20: {  	[sflag:s8] =	ssyncset.s32 @!p0 $0xFFFFF086;
	s6 =	sadd.s32 @!p0 s3, s7;
	s7 =	simm.s32 @!p0 $0x108  }
0x21: {  	s3 =	sadd.s32 s3, s9;
	s6 =	sadd.s32 @!p0 $0x88, s6;
	s7 =	simm.s32 @p2 $0x1082  }
0x22: {  	[simem:s7], [sflag:s8] =	dma.local @!p0 [hbm:s6], $0xF7A  }
0x23: {  	s9 =	sor.u32 $0xD0000000, s2;
	s6 =	simm.s32 $0x108;
	_ =	swait.ge @!p0 [sflag:s8], $0x0  }
0x24: {  	s3 =	sadd.s32 $0x88, s3;
	s6 =	simm.s32 @!p1 $0x1082;
	[sflag:s4] =	ssyncset.s32 $0xFFFFF086  }
0x25: {  	[simem:s6], [sflag:s4] =	dma.local [hbm:s3], $0xF7A  }
0x26: {  	[smem:$0x3F9D] =	sst s1;
	(tag) =	ssettag s2;
	_ =	strace s9  }
0x27: {  	s1 =	sld [smem:$0x3FAD]  }
0x28: {  	s2 =	sld [smem:$0x3FAE]  }
0x29: {  	s4 =	sld [smem:$0x3FB0]  }
0x2a: {  	p0 =	seq.s32 s5, $0x0;
	s5 =	sld [smem:$0x3FB1]  }
0x2b: {  	s6 =	sld [smem:$0x3FB2]  }
0x2c: {  	s7 =	sld [smem:$0x3FB3]  }
0x2d: {  	s3 =	simm.s32 $0x108;
	s8 =	sld [smem:$0x3FB4]  }
0x2e: {  	s3 =	simm.s32 @!p0 $0x1082;
	s9 =	sld [smem:$0x3FB5]  }
0x2f: {  	lr =	sadd.s32 s0, s3;
	s0 =	sld [smem:$0x3FAC]  }
0x30: {  	s3 =	sld [smem:$0x3FAF]  }
0x31: {  	[smem:$0x3FB8] =	sst s10  }
0x32: {  	s10 =	sld [smem:$0x3FB6];
	_ =	sdelay $0x3  }
0x33: {  	p0 =	seq.s32 s10, $0x1;
	s10 =	sld [smem:$0x3FB8];
	_ =	sdelay $0x3  }
0x34: {  	[smem:$0x3FB8] =	sst s10  }
0x35: {  	s10 =	sld [smem:$0x3FB7];
	_ =	sdelay $0x3  }
0x36: {  	p1 =	seq.s32 s10, $0x1;
	s10 =	sld [smem:$0x3FB8];
	_ =	sdelay $0x3  }
0x37: {  	[smem:$0x3FB8] =	sst s10  }
0x38: {  	s10 =	sld [smem:$0x3FB9]  }
0x39: {  	_ = 	snop;
	(pc) =	sbr.ind lr, $3  }
0x3a: {  	_ = 	snop  }
0x3b: {  	_ = 	snop  }
0x3c: {  	p2 =	seq.s32 s10, $0x1;
	s10 =	sld [smem:$0x3FB8]  }
0x3d: {  	_ =	shalt  }
0x3e: {  	_ =	shalt  }
0x3f: {  	_ =	shalt  }
0x40: {  	_ =	shalt  }
0x41: {  	_ =	shalt  }
0x42: {  	_ =	shalt  }
0x43: {  	_ =	shalt  }
0x44: {  	_ =	shalt  }
0x45: {  	_ =	shalt  }
0x46: {  	_ =	shalt  }
0x47: {  	_ =	shalt  }
0x48: {  	_ =	shalt  }
0x49: {  	_ =	shalt  }
0x4a: {  	_ =	shalt  }
0x4b: {  	_ =	shalt  }
0x4c: {  	_ =	shalt  }
0x4d: {  	_ =	shalt  }
0x4e: {  	_ =	shalt  }
0x4f: {  	_ =	shalt  }
0x50: {  	_ =	shalt  }
0x51: {  	_ =	shalt  }
0x52: {  	_ =	shalt  }
0x53: {  	_ =	shalt  }
0x54: {  	_ =	shalt  }
0x55: {  	_ =	shalt  }
0x56: {  	_ =	shalt  }
0x57: {  	_ =	shalt  }
0x58: {  	_ =	shalt  }
0x59: {  	_ =	shalt  }
0x5a: {  	_ =	shalt  }
0x5b: {  	_ =	shalt  }
0x5c: {  	_ =	shalt  }
0x5d: {  	_ =	shalt  }
0x5e: {  	_ =	shalt  }
0x5f: {  	_ =	shalt  }
0x60: {  	_ =	shalt  }
0x61: {  	_ =	shalt  }
0x62: {  	_ =	shalt  }
0x63: {  	_ =	shalt  }
0x64: {  	_ =	shalt  }
0x65: {  	_ =	shalt  }
0x66: {  	_ =	shalt  }
0x67: {  	_ =	shalt  }
0x68: {  	_ =	shalt  }
0x69: {  	_ =	shalt  }
0x6a: {  	_ =	shalt  }
0x6b: {  	_ =	shalt  }
0x6c: {  	_ =	shalt  }
0x6d: {  	_ =	shalt  }
0x6e: {  	_ =	shalt  }
0x6f: {  	_ =	shalt  }
0x70: {  	_ =	shalt  }
0x71: {  	_ =	shalt  }
0x72: {  	_ =	shalt  }
0x73: {  	_ =	shalt  }
0x74: {  	_ =	shalt  }
0x75: {  	_ =	shalt  }
0x76: {  	_ =	shalt  }
0x77: {  	_ =	shalt  }
0x78: {  	_ =	shalt  }
0x79: {  	_ =	shalt  }
0x7a: {  	_ =	shalt  }
0x7b: {  	_ =	shalt  }
0x7c: {  	_ =	shalt  }
0x7d: {  	_ =	shalt  }
0x7e: {  	_ =	shalt  }
0x7f: {  	_ =	shalt  }
0x80: {  	_ =	shalt  }
0x81: {  	_ =	shalt  }
0x82: {  	_ =	shalt  }
0x83: {  	_ =	shalt  }
0x84: {  	_ =	shalt  }
0x85: {  	_ =	shalt  }
0x86: {  	_ =	shalt  }
0x87: {  	_ =	shalt  }
.Lfunc_end0:
.L_simem_size_0:
called_computation_lowered:
.L_overlay_start_0:
0x88: {  	s2 =	sld [smem:$0x3FD9]  }
0x89: {  	s3 =	sld [smem:$0x3FFE];
	_ =	sdelay $0x1  }
0x8a: {  	s1 =	srdreg.scid  }
0x8b: {  	s0 =	sand.u32 $0x1, s1  }
0x8c: {  	s17 =	sshll.u32 s0, $0xA;
	s2 =	sadd.s32 s3, s2  }
0x8d: {  	s2 =	sadd.s32 s2, s17  }
0x8e: {  	[smem:$0x3FC4] =	sst s2  }
0x8f: {  	_ = 	snop  }
0x90: {  	s2 =	sld [smem:$0x3FD0];
	(tm) =	ssettm $0x1  }
0x91: {  	s18 =	sld [smem:$0x3FFB];
	_ =	sdelay $0x3  }
0x92: {  	_ =	strace s18  }
0x93: {  	s3 =	sld [smem:$0x3FFC];
	_ =	sdelay $0x3  }
0x94: {  	_ =	strace s3  }
0x95: {  	s3 =	sld [smem:$0x3FFD];
	_ =	sdelay $0x3  }
0x96: {  	_ =	strace s3  }
0x97: {  	_ =	strace $0x8FFFFFFF  }
0x98: {  	s19 =	sld [smem:$0x3FDB];
	_ =	sdelay $0x1  }
0x99: {  	s4 =	simm.s32 $_scs_section_size  }
0x9a: {  	s5 =	simm.s32 $_size__tile_overlayer_lowered;
	s6 =	simm.s32 $_tile_overlayer_lowered  }
0x9b: {  	s22 =	simm.s32 $0x1BFF;
	s21 =	sshll.u32 s6, $0x1;
	s3 =	sadd.s32 s4, s19  }
0x9c: {  	s7 =	simm.s32 $0x0;
	s20 =	sshll.u32 s5, $0x1;
	s5 =	sadd.s32 s21, s3  }
0x9d: {  	[timem:s7], [sflag:s22] =	dma.local [hbm:s5], s20  }
0x9e: {  	_ =	swait.ge [sflag:s22], s20  }
0x9f: {  	s4 =	ssub.s32 $0x0, s20;
	[sflag:s22] =	ssyncset.done $0x0  }
0xa0: {  	[sflag:s22] =	ssyncadd.s32 s4;
	_ =	sdelay $0x1  }
0xa1: {  	s23 =	simm.s32 $0x1B8B  }
0xa2: {  	_ =	swait.ge [sflag:s23], $0x1  }
0xa3: {  	[sflag:s23] =	ssyncset.done $0x0  }
0xa4: {  	s25 =	simm.s32 $0x1B8E;
	s24 =	sld [smem:$0x3FFE];
	[sflag:s23] =	ssyncadd.s32 $0xFFFFFFFF  }
0xa5: {  	s26 =	simm.s32 $execute0_lowered;
	[smem:$0x3FD2] =	sst s25  }
0xa6: {  	s5 =	sshll.u32 s26, $0x1;
	_ =	strace $0x80000046;
	[dreg:$0x1] =	wrdreg $0xFFFFFFFF  }
0xa7: {  	s28 =	simm.s32 $_size_execute0_lowered;
	s3 =	sadd.s32 s3, s5;
	[dreg:$0x0] =	wrdreg $0x0  }
0xa8: {  	s5 =	sshll.u32 s28, $0x1;
	[dreg:$0x2] =	wrdreg s3  }
0xa9: {  	[dreg:$0x3] =	wrdreg s5  }
0xaa: {  	[dreg:$0x4] =	wrdreg $0xC0  }
0xab: {  	_ =	task [dreg:s7], $0x5FFFF  }
0xac: {  	[dreg:$0x1] =	wrdreg $0xFFFFFFFF  }
0xad: {  	[dreg:$0x0] =	wrdreg $0x60  }
0xae: {  	[dreg:$0x2] =	wrdreg s24  }
0xaf: {  	[dreg:$0x3] =	wrdreg s2  }
0xb0: {  	[dreg:$0x4] =	wrdreg $0x9  }
0xb1: {  	_ =	task.clear_ibuf [dreg:s7], $0x5FFFF;
	_ =	strace $0x90000046  }
0xb2: {  	s29 =	simm.s32 $0x9;
	_ =	strace $0x80000048  }
0xb3: {  	_ =	swait.ge [sflag:s29], $0x1  }
0xb4: {  	[sflag:s29] =	ssyncadd.s32 $0xFFFFFFFF  }
0xb5: {  	_ =	strace $0x90000048  }
0xb6: {  	_ =	sfence  }
0xb7: {  	s30 =	sld [smem:$0x0];
	_ =	sdelay $0x2  }
0xb8: {  	s31 =	sshll.u32 s1, $0xD;
	s1 =	sshrl.u32 s1, $0x2  }
0xb9: {  	s3 =	sand.u32 $0x4000, s31;
	s1 =	sadd.s32 s1, s30  }
0xba: {  	s0 =	sor.u32 s3, s0;
	s1 =	sshll.u32 s1, $0x11  }
0xbb: {  	s0 =	sor.u32 s1, s0  }
0xbc: {  	s0 =	sadd.s32 $0x8F2B, s0  }
0xbd: {  	[sflag:s0] =	ssyncadd.remote.s32 $0x1  }
0xbe: {  	_ =	sfence.sel $0xFFFF  }
0xbf: {  	[dreg:$0x0] =	wrdreg $0xFFFFFFFF;
	(pc) =	sbr.abs _section_cstart, $3  }
0xc0: {  	[dreg:$0x1] =	wrdreg $0xFFFFFFFF  }
0xc1: {  	_ =	task.clear_ibuf [dreg:s7], $0x2FFFF;
	_ =	strace $0x9FFFFFFF  }
0xc2: {  	(tm) =	ssettm $0x7FFFFFFF  }
0xc3: {  	_ =	shalt  }
tec
execute0_lowered:
.L_overlay_start_1:
0x0: {  	(tag) =	ssettag $0x1  }
0x1: {  	s1 =	rddreg [dreg:$0x0];
	s2 =	srdreg.scid  }
0x2: {  	s0 =	stileid.u32;
	s3 =	rddreg [dreg:$0x1]  }
0x3: {  	s18 =	simm.s32 $0x880;
	s19 =	simm.s32 $0x1080;
	s20 =	simm.s32 $0x1880  }
0x4: {  	s21 =	simm.s32 $0x2080;
	s23 =	simm.s32 $0x2880;
	s24 =	simm.s32 $0x3080  }
0x5: {  	s25 =	simm.s32 $0x3880;
	s26 =	simm.s32 $0x4080;
	s7 =	simm.s32 $0x80  }
0x6: {  	s9 =	simm.s32 $0x5080;
	s4 =	sand.u32 $0x1, s2;
	s2 =	simm.s32 $0x0  }
0x7: {  	s10 =	simm.s32 $0x5880;
	s11 =	simm.s32 $0x6080;
	[smem:$0x7FF] =	sst s2  }
0x8: {  	s12 =	simm.s32 $0x6880;
	_ =	strace $0x80000047;
	[dreg:$0x5] =	wrdreg s18  }
0x9: {  	s13 =	simm.s32 $0x7080;
	s14 =	simm.s32 $0x7880;
	[dreg:$0x6] =	wrdreg s19  }
0xa: {  	s15 =	simm.s32 $0x8080;
	s16 =	simm.s32 $0x8880;
	[dreg:$0x7] =	wrdreg s20  }
0xb: {  	s28 =	simm.s32 $0xE080;
	s29 =	simm.s32 $0xE880;
	[dreg:$0x8] =	wrdreg s21  }
0xc: {  	s30 =	simm.s32 $0xF080;
	s5 =	sshll.u32 s0, $0x1;
	[dreg:$0x9] =	wrdreg s23  }
0xd: {  	s31 =	simm.s32 $0xF880;
	s5 =	sor.u32 s4, s5;
	[dreg:$0xa] =	wrdreg s24  }
0xe: {  	s4 =	ssub.s32 $0x2, s4;
	s6 =	sshll.u32 s5, $0xD;
	[dreg:$0xb] =	wrdreg s25  }
0xf: {  	s5 =	sshll.u32 s5, $0x4;
	s22 =	sshrl.u32 s4, $0x1;
	[dreg:$0xc] =	wrdreg s26  }
0x10: {  	s18 =	simm.s32 $0x9880;
	s19 =	simm.s32 $0xA080;
	s20 =	simm.s32 $0xA880  }
0x11: {  	s21 =	simm.s32 $0xB080;
	s23 =	simm.s32 $0xC080;
	s24 =	simm.s32 $0xC880  }
0x12: {  	s25 =	simm.s32 $0xD080;
	s6 =	sadd.s32 s6, s1;
	s3 =	sadd.s32 s3, s5  }
0x13: {  	s26 =	simm.s32 $0xD880;
	[dreg:$0x3] =	wrdreg s3;
	s17 =	sadd.s32 $0x36C800, s6  }
0x14: {  	v2 =	vlaneseq.u32;
	s3 =	sadd.s32 $0x800, s1;
	s6 =	ssub.s32 s4, s22;
	s4 =	sadd.s32 $0x900, s1  }
0x15: {  	vm0 =	vmmov $0xffff;
	v1 =	vshrl.u32 v2, $0x3;
	s22 =	simm.s32 $0xB880;
	s1 =	simm.s32 $0x1;
	[dreg:$0x4] =	wrdreg s17  }
0x16: {  	v0 =	vand.u32 $0x7, v2;
	v2 =	vor.u32 $0x8, v2;
	v1 =	vmul.u32 $0x8, v1;
	s5 =	smax.u32 s6, $0x1;
	s6 =	simm.s32 $0x2;
	s17 =	simm.s32 $0x9080  }
.LBB2_1:
0x17: {  	s0 =	rddreg [dreg:$0x3]  }
0x18: {  	[tilespmem:s2], [sflag:$0x2] =	stream.linear.gather [hbm4b:s0+s2], $0x80, $0x38;
	[tilespmem:$0x10080] =	vst v63  }
0x19: {  	_ =	swait.ge [sflag:s6], $0x80  }
0x1a: {  	[sflag:s6] =	ssyncset.done $0x0  }
0x1b: {  	s8 =	rddreg [dreg:$0x4];
	[sflag:s6] =	ssyncadd.s32 $0xFFFFFF80  }
0x1c: {  	[tilespmem:s7], [sflag:$0x2] =	stream.linear.gather [hbm4b:s8+s2], $0x10000, $0x38;
	[tilespmem:$0x10080] =	vst v63  }
0x1d: {  	_ =	swait.ge [sflag:s6], $0x10000  }
0x1e: {  	[sflag:s6] =	ssyncset.done $0x0  }
0x1f: {  	[sflag:s6] =	ssyncadd.s32 $0xFFFF0000  }
0x20: {  	v3 =	vld [tilespmem:$0x0];
	_ =	sdelay $0x4  }
0x21: {  	v4 =	vshll.u32 v3, $0x2  }
0x22: {  	v3 =	vand.u32 $0x7, v3;
	v4 =	vand.u32 $0xFFFFFFE0, v4  }
0x23: {  	v3 =	vor.u32 v3, v4  }
0x24: {  	v4 =	vperm.xlane v3, v0;
	_ =	sdelay $0x1  }
0x25: {  	v4 =	vadd.s32 v1, v4;
	_ =	sdelay $0x1  }
0x26: {  	v3 =	vperm.xlane v3, v2;
	_ =	sdelay $0x1  }
0x27: {  	v3 =	vadd.s32 v1, v3  }
0x28: {  	[hbm4b:s3+s2] =	stream.indirect_vreg.scatter [tilespmem:s7], [sflag:$0x1], $0x80, v4, vm0, $0xb8;
	[tilespmem:$0x10080] =	vst v63  }
0x29: {  	s0 =	rddreg [dreg:$0x5]  }
0x2a: {  	[hbm4b:s4+s2] =	stream.indirect_vreg.scatter [tilespmem:s0], [sflag:$0x1], $0x80, v4, vm0, $0xb8;
	[tilespmem:$0x10080] =	vst v63  }
0x2b: {  	s8 =	rddreg [dreg:$0x6]  }
0x2c: {  	[hbm4b:s3+s2] =	stream.indirect_vreg.scatter [tilespmem:s8], [sflag:$0x1], $0x80, v3, vm0, $0xb8;
	[tilespmem:$0x10080] =	vst v63  }
0x2d: {  	s0 =	rddreg [dreg:$0x7]  }
0x2e: {  	[hbm4b:s4+s2] =	stream.indirect_vreg.scatter [tilespmem:s0], [sflag:$0x1], $0x80, v3, vm0, $0xb8;
	[tilespmem:$0x10080] =	vst v63  }
0x2f: {  	v3 =	vld [tilespmem:$0x10];
	_ =	sdelay $0x4  }
0x30: {  	v57 =	vshll.u32 v3, $0x2  }
0x31: {  	v3 =	vand.u32 $0x7, v3;
	v4 =	vand.u32 $0xFFFFFFE0, v57  }
0x32: {  	v3 =	vor.u32 v3, v4  }
0x33: {  	v4 =	vperm.xlane v3, v0;
	_ =	sdelay $0x1  }
0x34: {  	v4 =	vadd.s32 v1, v4;
	_ =	sdelay $0x1  }
0x35: {  	v3 =	vperm.xlane v3, v2;
	_ =	sdelay $0x1  }
0x36: {  	s0 =	rddreg [dreg:$0x8];
	v3 =	vadd.s32 v1, v3  }
0x37: {  	[hbm4b:s3+s2] =	stream.indirect_vreg.scatter [tilespmem:s0], [sflag:$0x1], $0x80, v4, vm0, $0xb8;
	[tilespmem:$0x10080] =	vst v63  }
0x38: {  	s8 =	rddreg [dreg:$0x9]  }
0x39: {  	[hbm4b:s4+s2] =	stream.indirect_vreg.scatter [tilespmem:s8], [sflag:$0x1], $0x80, v4, vm0, $0xb8;
	[tilespmem:$0x10080] =	vst v63  }
0x3a: {  	s0 =	rddreg [dreg:$0xa]  }
0x3b: {  	[hbm4b:s3+s2] =	stream.indirect_vreg.scatter [tilespmem:s0], [sflag:$0x1], $0x80, v3, vm0, $0xb8;
	[tilespmem:$0x10080] =	vst v63  }
0x3c: {  	s8 =	rddreg [dreg:$0xb]  }
0x3d: {  	[hbm4b:s4+s2] =	stream.indirect_vreg.scatter [tilespmem:s8], [sflag:$0x1], $0x80, v3, vm0, $0xb8;
	[tilespmem:$0x10080] =	vst v63  }
0x3e: {  	v3 =	vld [tilespmem:$0x20];
	_ =	sdelay $0x4  }
0x3f: {  	v58 =	vshll.u32 v3, $0x2  }
0x40: {  	v3 =	vand.u32 $0x7, v3;
	v4 =	vand.u32 $0xFFFFFFE0, v58  }
0x41: {  	v3 =	vor.u32 v3, v4  }
0x42: {  	v4 =	vperm.xlane v3, v0;
	_ =	sdelay $0x1  }
0x43: {  	v4 =	vadd.s32 v1, v4;
	_ =	sdelay $0x1  }
0x44: {  	v3 =	vperm.xlane v3, v2;
	_ =	sdelay $0x1  }
0x45: {  	s8 =	rddreg [dreg:$0xc];
	v3 =	vadd.s32 v1, v3  }
0x46: {  	[hbm4b:s3+s2] =	stream.indirect_vreg.scatter [tilespmem:s8], [sflag:$0x1], $0x80, v4, vm0, $0xb8;
	[tilespmem:$0x10080] =	vst v63  }
0x47: {  	s8 =	simm.s32 $0x4880  }
0x48: {  	[hbm4b:s4+s2] =	stream.indirect_vreg.scatter [tilespmem:s8], [sflag:$0x1], $0x80, v4, vm0, $0xb8;
	[tilespmem:$0x10080] =	vst v63  }
0x49: {  	_ = 	snop  }
0x4a: {  	[hbm4b:s3+s2] =	stream.indirect_vreg.scatter [tilespmem:s9], [sflag:$0x1], $0x80, v3, vm0, $0xb8;
	[tilespmem:$0x10080] =	vst v63  }
0x4b: {  	_ = 	snop  }
0x4c: {  	[hbm4b:s4+s2] =	stream.indirect_vreg.scatter [tilespmem:s10], [sflag:$0x1], $0x80, v3, vm0, $0xb8;
	[tilespmem:$0x10080] =	vst v63  }
0x4d: {  	v3 =	vld [tilespmem:$0x30];
	_ =	sdelay $0x4  }
0x4e: {  	v59 =	vshll.u32 v3, $0x2  }
0x4f: {  	v3 =	vand.u32 $0x7, v3;
	v4 =	vand.u32 $0xFFFFFFE0, v59  }
0x50: {  	v3 =	vor.u32 v3, v4  }
0x51: {  	v4 =	vperm.xlane v3, v0;
	_ =	sdelay $0x1  }
0x52: {  	v4 =	vadd.s32 v1, v4;
	_ =	sdelay $0x1  }
0x53: {  	v3 =	vperm.xlane v3, v2;
	_ =	sdelay $0x1  }
0x54: {  	v3 =	vadd.s32 v1, v3  }
0x55: {  	[hbm4b:s3+s2] =	stream.indirect_vreg.scatter [tilespmem:s11], [sflag:$0x1], $0x80, v4, vm0, $0xb8;
	[tilespmem:$0x10080] =	vst v63  }
0x56: {  	_ = 	snop  }
0x57: {  	[hbm4b:s4+s2] =	stream.indirect_vreg.scatter [tilespmem:s12], [sflag:$0x1], $0x80, v4, vm0, $0xb8;
	[tilespmem:$0x10080] =	vst v63  }
0x58: {  	_ = 	snop  }
0x59: {  	[hbm4b:s3+s2] =	stream.indirect_vreg.scatter [tilespmem:s13], [sflag:$0x1], $0x80, v3, vm0, $0xb8;
	[tilespmem:$0x10080] =	vst v63  }
0x5a: {  	_ = 	snop  }
0x5b: {  	[hbm4b:s4+s2] =	stream.indirect_vreg.scatter [tilespmem:s14], [sflag:$0x1], $0x80, v3, vm0, $0xb8;
	[tilespmem:$0x10080] =	vst v63  }
0x5c: {  	v3 =	vld [tilespmem:$0x40];
	_ =	sdelay $0x4  }
0x5d: {  	v60 =	vshll.u32 v3, $0x2  }
0x5e: {  	v3 =	vand.u32 $0x7, v3;
	v4 =	vand.u32 $0xFFFFFFE0, v60  }
0x5f: {  	v3 =	vor.u32 v3, v4  }
0x60: {  	v4 =	vperm.xlane v3, v0;
	_ =	sdelay $0x1  }
0x61: {  	v4 =	vadd.s32 v1, v4;
	_ =	sdelay $0x1  }
0x62: {  	v3 =	vperm.xlane v3, v2;
	_ =	sdelay $0x1  }
0x63: {  	v3 =	vadd.s32 v1, v3  }
0x64: {  	[hbm4b:s3+s2] =	stream.indirect_vreg.scatter [tilespmem:s15], [sflag:$0x1], $0x80, v4, vm0, $0xb8;
	[tilespmem:$0x10080] =	vst v63  }
0x65: {  	_ = 	snop  }
0x66: {  	[hbm4b:s4+s2] =	stream.indirect_vreg.scatter [tilespmem:s16], [sflag:$0x1], $0x80, v4, vm0, $0xb8;
	[tilespmem:$0x10080] =	vst v63  }
0x67: {  	_ = 	snop  }
0x68: {  	[hbm4b:s3+s2] =	stream.indirect_vreg.scatter [tilespmem:s17], [sflag:$0x1], $0x80, v3, vm0, $0xb8;
	[tilespmem:$0x10080] =	vst v63  }
0x69: {  	_ = 	snop  }
0x6a: {  	[hbm4b:s4+s2] =	stream.indirect_vreg.scatter [tilespmem:s18], [sflag:$0x1], $0x80, v3, vm0, $0xb8;
	[tilespmem:$0x10080] =	vst v63  }
0x6b: {  	v3 =	vld [tilespmem:$0x50];
	_ =	sdelay $0x4  }
0x6c: {  	v61 =	vshll.u32 v3, $0x2  }
0x6d: {  	v3 =	vand.u32 $0x7, v3;
	v4 =	vand.u32 $0xFFFFFFE0, v61  }
0x6e: {  	v3 =	vor.u32 v3, v4  }
0x6f: {  	v4 =	vperm.xlane v3, v0;
	_ =	sdelay $0x1  }
0x70: {  	v4 =	vadd.s32 v1, v4;
	_ =	sdelay $0x1  }
0x71: {  	v3 =	vperm.xlane v3, v2;
	_ =	sdelay $0x1  }
0x72: {  	v3 =	vadd.s32 v1, v3  }
0x73: {  	[hbm4b:s3+s2] =	stream.indirect_vreg.scatter [tilespmem:s19], [sflag:$0x1], $0x80, v4, vm0, $0xb8;
	[tilespmem:$0x10080] =	vst v63  }
0x74: {  	_ = 	snop  }
0x75: {  	[hbm4b:s4+s2] =	stream.indirect_vreg.scatter [tilespmem:s20], [sflag:$0x1], $0x80, v4, vm0, $0xb8;
	[tilespmem:$0x10080] =	vst v63  }
0x76: {  	_ = 	snop  }
0x77: {  	[hbm4b:s3+s2] =	stream.indirect_vreg.scatter [tilespmem:s21], [sflag:$0x1], $0x80, v3, vm0, $0xb8;
	[tilespmem:$0x10080] =	vst v63  }
0x78: {  	_ = 	snop  }
0x79: {  	[hbm4b:s4+s2] =	stream.indirect_vreg.scatter [tilespmem:s22], [sflag:$0x1], $0x80, v3, vm0, $0xb8;
	[tilespmem:$0x10080] =	vst v63  }
0x7a: {  	v3 =	vld [tilespmem:$0x60];
	_ =	sdelay $0x4  }
0x7b: {  	v62 =	vshll.u32 v3, $0x2  }
0x7c: {  	v3 =	vand.u32 $0x7, v3;
	v4 =	vand.u32 $0xFFFFFFE0, v62  }
0x7d: {  	v3 =	vor.u32 v3, v4  }
0x7e: {  	v4 =	vperm.xlane v3, v0;
	_ =	sdelay $0x1  }
0x7f: {  	v4 =	vadd.s32 v1, v4;
	_ =	sdelay $0x1  }
0x80: {  	v3 =	vperm.xlane v3, v2;
	_ =	sdelay $0x1  }
0x81: {  	v3 =	vadd.s32 v1, v3  }
0x82: {  	[hbm4b:s3+s2] =	stream.indirect_vreg.scatter [tilespmem:s23], [sflag:$0x1], $0x80, v4, vm0, $0xb8;
	[tilespmem:$0x10080] =	vst v63  }
0x83: {  	_ = 	snop  }
0x84: {  	[hbm4b:s4+s2] =	stream.indirect_vreg.scatter [tilespmem:s24], [sflag:$0x1], $0x80, v4, vm0, $0xb8;
	[tilespmem:$0x10080] =	vst v63  }
0x85: {  	_ = 	snop  }
0x86: {  	[hbm4b:s3+s2] =	stream.indirect_vreg.scatter [tilespmem:s25], [sflag:$0x1], $0x80, v3, vm0, $0xb8;
	[tilespmem:$0x10080] =	vst v63  }
0x87: {  	_ = 	snop  }
0x88: {  	[hbm4b:s4+s2] =	stream.indirect_vreg.scatter [tilespmem:s26], [sflag:$0x1], $0x80, v3, vm0, $0xb8;
	[tilespmem:$0x10080] =	vst v63  }
0x89: {  	v3 =	vld [tilespmem:$0x70];
	_ =	sdelay $0x4  }
0x8a: {  	v63 =	vshll.u32 v3, $0x2  }
0x8b: {  	v3 =	vand.u32 $0x7, v3;
	v4 =	vand.u32 $0xFFFFFFE0, v63  }
0x8c: {  	v3 =	vor.u32 v3, v4  }
0x8d: {  	v4 =	vperm.xlane v3, v0;
	_ =	sdelay $0x1  }
0x8e: {  	v4 =	vadd.s32 v1, v4;
	_ =	sdelay $0x1  }
0x8f: {  	v3 =	vperm.xlane v3, v2;
	_ =	sdelay $0x1  }
0x90: {  	v3 =	vadd.s32 v1, v3  }
0x91: {  	[hbm4b:s3+s2] =	stream.indirect_vreg.scatter [tilespmem:s28], [sflag:$0x1], $0x80, v4, vm0, $0xb8;
	[tilespmem:$0x10080] =	vst v63  }
0x92: {  	_ = 	snop  }
0x93: {  	[hbm4b:s4+s2] =	stream.indirect_vreg.scatter [tilespmem:s29], [sflag:$0x1], $0x80, v4, vm0, $0xb8;
	[tilespmem:$0x10080] =	vst v63  }
0x94: {  	p0 =	sne.s32 s5, $0x1  }
0x95: {  	[hbm4b:s3+s2] =	stream.indirect_vreg.scatter [tilespmem:s30], [sflag:$0x1], $0x80, v3, vm0, $0xb8;
	[tilespmem:$0x10080] =	vst v63  }
.Ltmp0:
0x96: {  	_ = 	snop;
	(pc) =	sbr.rel @p0 .LBB2_1-.Ltmp0, $4  }
0x97: {  	[hbm4b:s4+s2] =	stream.indirect_vreg.scatter [tilespmem:s31], [sflag:$0x1], $0x80, v3, vm0, $0xb8;
	[tilespmem:$0x10080] =	vst v63  }
0x98: {  	_ =	swait.ge [sflag:s1], $0x10000  }
0x99: {  	[sflag:s1] =	ssyncset.done $0x0  }
0x9a: {  	s5 =	sadd.s32 $0xFFFFFFFF, s5;
	[sflag:s1] =	ssyncadd.s32 $0xFFFF0000  }
0x9b: {  	_ =	sfence.sel $0x180000  }
0x9c: {  	[bflag:$0x0] =	sbarrier.arrive $0xFFFF  }
0x9d: {  	_ =	strace $0x90000047  }
0x9e: {  	s0 =	stileid.u32;
	[bflag:$0x2] =	sbarrier.arrive $0xFFFF  }
0x9f: {  	p0 =	sne.s32 s0, $0x0;
	s0 =	rddreg [dreg:$0x2]  }
0xa0: {  	s0 =	sadd.s32 @!p0 $0x100000, s0  }
0xa1: {  	[sflag:s0] =	ssyncadd.tile.s32 @!p0 $0x1;
	_ =	shalt  }
.Lfunc_end2:
_tile_overlayer_lowered:
.L_overlay_start_2:
0xa2: {  	(tag) =	ssettag $0x2  }
0xa3: {  	s0 =	rddreg [dreg:$0x0];
	s2 =	stileid.u32  }
0xa4: {  	s1 =	rddreg [dreg:$0x1];
	p0 =	sne.s32 s2, $0x0  }
0xa5: {  	s3 =	rddreg [dreg:$0x2];
	[bflag:$0x3] =	sbarrier.arrive $0xFFFF;
	s2 =	simm.s32 @!p0 $0x1C02  }
0xa6: {  	[timem:s3], [sflag:s2] =	dma.local @!p0 [hbm:s0], s1  }
0xa7: {  	s0 =	simm.s32 @!p0 $0x2  }
0xa8: {  	_ =	swait.ge @!p0 [sflag:s0], s1  }
0xa9: {  	s1 =	ssub.s32 @!p0 $0x0, s1;
	[sflag:s0] =	ssyncset.done @!p0 $0x0  }
0xaa: {  	[sflag:s0] =	ssyncadd.s32 @!p0 s1  }
0xab: {  	[bflag:$0x3] =	sbarrier.arrive $0xFFFF  }
0xac: {  	_ =	shalt  }

</sc_bundles>
